<compile_context>
chip_gen: v7x
topology: tpu7x:2x2x1
jax: 0.10.2.dev20260603
libtpu: 0.0.44.dev20260713+nightly
codegen_flags: <defaults>
</compile_context>

<pallas_src>
import jax
import jax.numpy as jnp
from jax import lax
from jax.experimental import pallas as pl
from jax.experimental.pallas import tpu as pltpu
from jax.experimental.pallas import tpu_sc as plsc

VOCAB = 1000000
EMBED = 64
MAX_SEQ = 200
BATCH = 4096

NUM_CORES = 2
NUM_SUBCORES = 16
NUM_WORKERS = NUM_CORES * NUM_SUBCORES
ROWS_PER_WORKER = BATCH // NUM_WORKERS
PAIR = 2
PAIRS_PER_WORKER = ROWS_PER_WORKER // PAIR
IDX_SPLITS = ((0, 128), (128, 72))
LANES = 16


def _body(x_hbm, we_hbm, out_hbm, idx_v, rows_v, gsem, ssem):
    wid = lax.axis_index("s") * NUM_CORES + lax.axis_index("c")
    row_base = wid * ROWS_PER_WORKER

    pltpu.sync_copy(x_hbm.at[pl.ds(row_base, ROWS_PER_WORKER)], idx_v)

    def fire_gathers(slot, p):
        for k in range(PAIR):
            for off, ln in IDX_SPLITS:
                pltpu.async_copy(
                    we_hbm.at[idx_v.at[PAIR * p + k, pl.ds(off, ln)]],
                    rows_v.at[slot, k, pl.ds(off, ln)],
                    gsem.at[slot],
                )

    def wait_gathers(slot):
        for k in range(PAIR):
            pltpu.make_async_copy(
                we_hbm.at[pl.ds(0, MAX_SEQ)], rows_v.at[slot, k], gsem.at[slot]
            ).wait()

    def fire_store(slot, p):
        pltpu.async_copy(
            rows_v.at[slot],
            out_hbm.at[pl.ds(row_base + PAIR * p, PAIR)],
            ssem.at[slot],
        )

    def wait_store(slot):
        pltpu.make_async_copy(
            rows_v.at[slot], out_hbm.at[pl.ds(0, PAIR)], ssem.at[slot]
        ).wait()

    fire_gathers(0, 0)

    @pl.loop(0, PAIRS_PER_WORKER, step=2)
    def _(p0):
        for q in range(2):
            p = p0 + q
            s = q
            o = 1 - q

            @pl.when(p >= 1)
            def _():
                wait_store(o)

            @pl.when(p + 1 < PAIRS_PER_WORKER)
            def _():
                fire_gathers(o, p + 1)

            wait_gathers(s)
            fire_store(s, p)

    wait_store(1)


def _sc_gather(x, we_table):
    mesh = plsc.VectorSubcoreMesh(
        core_axis_name="c", subcore_axis_name="s", num_cores=NUM_CORES,
        num_subcores=NUM_SUBCORES,
    )
    return pl.kernel(
        _body,
        out_type=jax.ShapeDtypeStruct((BATCH, MAX_SEQ, EMBED), jnp.float32),
        mesh=mesh,
        scratch_types=[
            pltpu.VMEM((ROWS_PER_WORKER, MAX_SEQ), jnp.int32),
            pltpu.VMEM((2, PAIR, MAX_SEQ, EMBED), jnp.float32),
            pltpu.SemaphoreType.DMA((2,)),
            pltpu.SemaphoreType.DMA((2,)),
        ],
        compiler_params=pltpu.CompilerParams(use_tc_tiling_on_sc=False),
    )(x, we_table)


BTILE = 512
STILE = 8


def _tc_body(rows_ref, pe_ref, ident_ref, out_ref):
    rows = rows_ref[...].reshape(BTILE, STILE * EMBED)
    outt = jax.lax.dot_general(
        rows, ident_ref[...], (((0,), (0,)), ((), ())),
        preferred_element_type=jnp.float32,
    )
    out = outt.reshape(STILE, EMBED, BTILE)
    out_ref[...] = out + pe_ref[...][:, :, None]


def _tc_fixup(scratch, pe_table):
    ident = jnp.eye(BTILE, dtype=jnp.float32)
    grid = (MAX_SEQ // STILE, BATCH // BTILE)
    return pl.pallas_call(
        _tc_body,
        grid=grid,
        in_specs=[
            pl.BlockSpec((BTILE, STILE, EMBED), lambda s, b: (b, s, 0)),
            pl.BlockSpec((STILE, EMBED), lambda s, b: (s, 0)),
            pl.BlockSpec((BTILE, BTILE), lambda s, b: (0, 0)),
        ],
        out_specs=pl.BlockSpec((STILE, EMBED, BTILE), lambda s, b: (s, 0, b)),
        out_shape=jax.ShapeDtypeStruct((MAX_SEQ, EMBED, BATCH), jnp.float32),
    )(scratch, pe_table, ident)


@jax.jit
def _emb_kernel(x, we_table, pe_table):
    scratch = _sc_gather(x, we_table)
    outT = _tc_fixup(scratch, pe_table)
    return outT.transpose(2, 0, 1)


def kernel(x, we_table, pe_table):
    return _emb_kernel(x, we_table, pe_table)

# --- scband reference (transcript-rebuilt; emitter-appended) ---
"""Pipeline reference for scband-embedding-leaned-with-sin-init-76493367542195 (READ-ONLY COPY).

The authoritative reference and input builder live on the scoring server;
editing this copy changes nothing except your own understanding.
"""

import jax, jax.numpy as jnp
import numpy as np

VOCAB = 1000000
EMBED = 64
MAX_SEQ = 200
BATCH = 4096


def _sin_pe_init():
    pe = np.zeros((MAX_SEQ, EMBED), dtype=np.float32)
    position = np.arange(0, MAX_SEQ)[:, np.newaxis]
    div_term = np.exp(np.arange(0, EMBED, 2) * -(np.log(10000.0) / EMBED))
    pe[:, 0::2] = np.sin(position * div_term)
    pe[:, 1::2] = np.cos(position * div_term)
    return jnp.asarray(pe)


def setup_inputs(seed: int = 0) -> dict:
    key = jax.random.key(seed)
    k1, k2 = jax.random.split(key)
    x = jax.random.randint(k1, (BATCH, MAX_SEQ), 0, VOCAB, dtype=jnp.int32)
    # learned word-embedding table (nn.Embed default init ~ normal)
    we_table = jax.random.normal(k2, (VOCAB, EMBED), dtype=jnp.float32) * 0.02
    # learned positional-embedding table initialized sinusoidally (embed_init)
    pe_table = _sin_pe_init()
    return {"x": x, "we_table": we_table, "pe_table": pe_table}


def reference(x, we_table, pe_table):
    # word_embedding = self.we(x)
    word_embedding = jnp.take(we_table, x, axis=0)
    # positional_embedding = self.pe(self.positions), positions = arange(max_seq_len)
    positions = jnp.arange(0, MAX_SEQ)
    positional_embedding = jnp.take(pe_table, positions, axis=0)
    # broadcast add over batch dim
    return word_embedding + positional_embedding[None, :, :]

if __name__ == "__main__":
    import jax
    _d = setup_inputs()
    print(jax.jit(kernel)(*tuple(_d.values())))

</pallas_src>

<mosaic_0001>
#map = affine_map<(d0, d1) -> (0, 0)>
#map1 = affine_map<(d0, d1) -> (0, 0, 0)>
module attributes {stable_mosaic.version = 14 : i64} {
  func.func @_body(%arg0: i32, %arg1: i32, %arg2: memref<4096x200xi32, #tpu.memory_space<hbm>>, %arg3: memref<1000000x64xf32, #tpu.memory_space<hbm>>, %arg4: memref<4096x200x64xf32, #tpu.memory_space<hbm>>, %arg5: memref<128x200xi32, #tpu.memory_space<vmem>>, %arg6: memref<2x2x200x64xf32, #tpu.memory_space<vmem>>, %arg7: memref<2x!tpu.dma_semaphore, #tpu.memory_space<semaphore_mem>>, %arg8: memref<2x!tpu.dma_semaphore, #tpu.memory_space<semaphore_mem>>) attributes {dimension_semantics = [#tpu.dimension_semantics<core_parallel>, #tpu.dimension_semantics<subcore_parallel>], iteration_bounds = array<i64: 2, 16>, scalar_prefetch = 0 : i64, scratch_operands = 4 : i64, tpu.core_type = #tpu.core_type<sc_vector_subcore>, window_params = [{transform_indices = #map}, {transform_indices = #map}, {transform_indices = #map1}]} {
    %mul3A = arith.constant 2 : i32
    %mul3A_0 = arith.muli %arg1, %mul3A : i32
    %add3A = arith.addi %mul3A_0, %arg0 : i32
    %mul3A_1 = arith.constant 128 : i32
    %mul3A_2 = arith.muli %add3A, %mul3A_1 : i32
    "tpu.region"() ({
      %run_scoped3A = tpu.sem_alloc : memref<!tpu.dma_semaphore, #tpu.memory_space<semaphore_mem>>
      %dma_start3A_91 = arith.constant 0 : i32
      %dma_start3A_92 = tpu.memref_slice %arg2[%mul3A_2, %dma_start3A_91] : memref<4096x200xi32, #tpu.memory_space<hbm>> -> memref<128x200xi32, #tpu.memory_space<hbm>>
      %dma_start3A_93 = arith.constant 0 : i32
      %dma_start3A_94 = tpu.memref_slice %arg2[%mul3A_2, %dma_start3A_93] : memref<4096x200xi32, #tpu.memory_space<hbm>> -> memref<128x200xi32, #tpu.memory_space<hbm>>
      tpu.enqueue_dma source(%dma_start3A_94 : memref<128x200xi32, #tpu.memory_space<hbm>>) target(%arg5 : memref<128x200xi32, #tpu.memory_space<vmem>>) target_semaphore(%run_scoped3A : memref<!tpu.dma_semaphore, #tpu.memory_space<semaphore_mem>>)
      %dma_wait3A_95 = arith.constant 0 : i32
      %dma_wait3A_96 = tpu.memref_slice %arg2[%mul3A_2, %dma_wait3A_95] : memref<4096x200xi32, #tpu.memory_space<hbm>> -> memref<128x200xi32, #tpu.memory_space<hbm>>
      %dma_wait3A_97 = arith.constant 0 : i32
      %dma_wait3A_98 = tpu.memref_slice %arg2[%mul3A_2, %dma_wait3A_97] : memref<4096x200xi32, #tpu.memory_space<hbm>> -> memref<128x200xi32, #tpu.memory_space<hbm>>
      tpu.wait_dma2 semaphore(%run_scoped3A : memref<!tpu.dma_semaphore, #tpu.memory_space<semaphore_mem>>) src(%dma_wait3A_98 : memref<128x200xi32, #tpu.memory_space<hbm>>) dst(%arg5 : memref<128x200xi32, #tpu.memory_space<vmem>>)
      tpu.yield
    }) : () -> ()
    %dma_start3A = arith.constant 0 : i32
    %dma_start3A_3 = arith.constant 0 : i32
    %dma_start3A_4 = arith.constant 0 : i32
    %dma_start3A_5 = arith.constant 0 : i32
    %dma_start3A_6 = arith.constant 0 : i32
    %dma_start3A_7 = arith.constant 0 : i32
    %dma_start3A_8 = tpu.memref_slice %arg6[%dma_start3A_3, %dma_start3A_4, %dma_start3A_6, %dma_start3A_7] : memref<2x2x200x64xf32, #tpu.memory_space<vmem>> -> memref<1x1x128x64xf32, #tpu.memory_space<vmem>>
    %dma_start3A_9 = tpu.memref_squeeze %dma_start3A_8 : memref<1x1x128x64xf32, #tpu.memory_space<vmem>> -> memref<128x64xf32, #tpu.memory_space<vmem>>
    %dma_start3A_10 = arith.constant 0 : i32
    %dma_start3A_11 = tpu.memref_slice %arg5[%dma_start3A, %dma_start3A_10] : memref<128x200xi32, #tpu.memory_space<vmem>> -> memref<1x128xi32, #tpu.memory_space<vmem>>
    %dma_start3A_12 = tpu.memref_squeeze %dma_start3A_11 : memref<1x128xi32, #tpu.memory_space<vmem>> -> memref<128xi32, #tpu.memory_space<vmem>>
    %dma_start3A_13 = arith.constant 0 : i32
    %dma_start3A_14 = arith.constant 0 : i32
    %dma_start3A_15 = tpu.memref_slice %arg3[%dma_start3A_13, %dma_start3A_14] : memref<1000000x64xf32, #tpu.memory_space<hbm>> -> memref<1000000x64xf32, #tpu.memory_space<hbm>>
    %dma_start3A_16 = tpu.memref_slice %arg7[%dma_start3A_5] : memref<2x!tpu.dma_semaphore, #tpu.memory_space<semaphore_mem>> -> memref<1x!tpu.dma_semaphore, #tpu.memory_space<semaphore_mem>>
    %dma_start3A_17 = tpu.memref_squeeze %dma_start3A_16 : memref<1x!tpu.dma_semaphore, #tpu.memory_space<semaphore_mem>> -> memref<!tpu.dma_semaphore, #tpu.memory_space<semaphore_mem>>
    tpu.enqueue_indirect_dma source(%dma_start3A_15 : memref<1000000x64xf32, #tpu.memory_space<hbm>>) target(%dma_start3A_9 : memref<128x64xf32, #tpu.memory_space<vmem>>) offsets(%dma_start3A_12 : memref<128xi32, #tpu.memory_space<vmem>>) semaphore(%dma_start3A_17 : memref<!tpu.dma_semaphore, #tpu.memory_space<semaphore_mem>>)
    %dma_start3A_18 = arith.constant 0 : i32
    %dma_start3A_19 = arith.constant 0 : i32
    %dma_start3A_20 = arith.constant 0 : i32
    %dma_start3A_21 = arith.constant 0 : i32
    %dma_start3A_22 = arith.constant 128 : i32
    %dma_start3A_23 = arith.constant 0 : i32
    %dma_start3A_24 = tpu.memref_slice %arg6[%dma_start3A_19, %dma_start3A_20, %dma_start3A_22, %dma_start3A_23] : memref<2x2x200x64xf32, #tpu.memory_space<vmem>> -> memref<1x1x72x64xf32, #tpu.memory_space<vmem>>
    %dma_start3A_25 = tpu.memref_squeeze %dma_start3A_24 : memref<1x1x72x64xf32, #tpu.memory_space<vmem>> -> memref<72x64xf32, #tpu.memory_space<vmem>>
    %dma_start3A_26 = arith.constant 128 : i32
    %dma_start3A_27 = tpu.memref_slice %arg5[%dma_start3A_18, %dma_start3A_26] : memref<128x200xi32, #tpu.memory_space<vmem>> -> memref<1x72xi32, #tpu.memory_space<vmem>>
    %dma_start3A_28 = tpu.memref_squeeze %dma_start3A_27 : memref<1x72xi32, #tpu.memory_space<vmem>> -> memref<72xi32, #tpu.memory_space<vmem>>
    %dma_start3A_29 = arith.constant 0 : i32
    %dma_start3A_30 = arith.constant 0 : i32
    %dma_start3A_31 = tpu.memref_slice %arg3[%dma_start3A_29, %dma_start3A_30] : memref<1000000x64xf32, #tpu.memory_space<hbm>> -> memref<1000000x64xf32, #tpu.memory_space<hbm>>
    %dma_start3A_32 = tpu.memref_slice %arg7[%dma_start3A_21] : memref<2x!tpu.dma_semaphore, #tpu.memory_space<semaphore_mem>> -> memref<1x!tpu.dma_semaphore, #tpu.memory_space<semaphore_mem>>
    %dma_start3A_33 = tpu.memref_squeeze %dma_start3A_32 : memref<1x!tpu.dma_semaphore, #tpu.memory_space<semaphore_mem>> -> memref<!tpu.dma_semaphore, #tpu.memory_space<semaphore_mem>>
    tpu.enqueue_indirect_dma source(%dma_start3A_31 : memref<1000000x64xf32, #tpu.memory_space<hbm>>) target(%dma_start3A_25 : memref<72x64xf32, #tpu.memory_space<vmem>>) offsets(%dma_start3A_28 : memref<72xi32, #tpu.memory_space<vmem>>) semaphore(%dma_start3A_33 : memref<!tpu.dma_semaphore, #tpu.memory_space<semaphore_mem>>)
    %dma_start3A_34 = arith.constant 1 : i32
    %dma_start3A_35 = arith.constant 0 : i32
    %dma_start3A_36 = arith.constant 1 : i32
    %dma_start3A_37 = arith.constant 0 : i32
    %dma_start3A_38 = arith.constant 0 : i32
    %dma_start3A_39 = arith.constant 0 : i32
    %dma_start3A_40 = tpu.memref_slice %arg6[%dma_start3A_35, %dma_start3A_36, %dma_start3A_38, %dma_start3A_39] : memref<2x2x200x64xf32, #tpu.memory_space<vmem>> -> memref<1x1x128x64xf32, #tpu.memory_space<vmem>>
    %dma_start3A_41 = tpu.memref_squeeze %dma_start3A_40 : memref<1x1x128x64xf32, #tpu.memory_space<vmem>> -> memref<128x64xf32, #tpu.memory_space<vmem>>
    %dma_start3A_42 = arith.constant 0 : i32
    %dma_start3A_43 = tpu.memref_slice %arg5[%dma_start3A_34, %dma_start3A_42] : memref<128x200xi32, #tpu.memory_space<vmem>> -> memref<1x128xi32, #tpu.memory_space<vmem>>
    %dma_start3A_44 = tpu.memref_squeeze %dma_start3A_43 : memref<1x128xi32, #tpu.memory_space<vmem>> -> memref<128xi32, #tpu.memory_space<vmem>>
    %dma_start3A_45 = arith.constant 0 : i32
    %dma_start3A_46 = arith.constant 0 : i32
    %dma_start3A_47 = tpu.memref_slice %arg3[%dma_start3A_45, %dma_start3A_46] : memref<1000000x64xf32, #tpu.memory_space<hbm>> -> memref<1000000x64xf32, #tpu.memory_space<hbm>>
    %dma_start3A_48 = tpu.memref_slice %arg7[%dma_start3A_37] : memref<2x!tpu.dma_semaphore, #tpu.memory_space<semaphore_mem>> -> memref<1x!tpu.dma_semaphore, #tpu.memory_space<semaphore_mem>>
    %dma_start3A_49 = tpu.memref_squeeze %dma_start3A_48 : memref<1x!tpu.dma_semaphore, #tpu.memory_space<semaphore_mem>> -> memref<!tpu.dma_semaphore, #tpu.memory_space<semaphore_mem>>
    tpu.enqueue_indirect_dma source(%dma_start3A_47 : memref<1000000x64xf32, #tpu.memory_space<hbm>>) target(%dma_start3A_41 : memref<128x64xf32, #tpu.memory_space<vmem>>) offsets(%dma_start3A_44 : memref<128xi32, #tpu.memory_space<vmem>>) semaphore(%dma_start3A_49 : memref<!tpu.dma_semaphore, #tpu.memory_space<semaphore_mem>>)
    %dma_start3A_50 = arith.constant 1 : i32
    %dma_start3A_51 = arith.constant 0 : i32
    %dma_start3A_52 = arith.constant 1 : i32
    %dma_start3A_53 = arith.constant 0 : i32
    %dma_start3A_54 = arith.constant 128 : i32
    %dma_start3A_55 = arith.constant 0 : i32
    %dma_start3A_56 = tpu.memref_slice %arg6[%dma_start3A_51, %dma_start3A_52, %dma_start3A_54, %dma_start3A_55] : memref<2x2x200x64xf32, #tpu.memory_space<vmem>> -> memref<1x1x72x64xf32, #tpu.memory_space<vmem>>
    %dma_start3A_57 = tpu.memref_squeeze %dma_start3A_56 : memref<1x1x72x64xf32, #tpu.memory_space<vmem>> -> memref<72x64xf32, #tpu.memory_space<vmem>>
    %dma_start3A_58 = arith.constant 128 : i32
    %dma_start3A_59 = tpu.memref_slice %arg5[%dma_start3A_50, %dma_start3A_58] : memref<128x200xi32, #tpu.memory_space<vmem>> -> memref<1x72xi32, #tpu.memory_space<vmem>>
    %dma_start3A_60 = tpu.memref_squeeze %dma_start3A_59 : memref<1x72xi32, #tpu.memory_space<vmem>> -> memref<72xi32, #tpu.memory_space<vmem>>
    %dma_start3A_61 = arith.constant 0 : i32
    %dma_start3A_62 = arith.constant 0 : i32
    %dma_start3A_63 = tpu.memref_slice %arg3[%dma_start3A_61, %dma_start3A_62] : memref<1000000x64xf32, #tpu.memory_space<hbm>> -> memref<1000000x64xf32, #tpu.memory_space<hbm>>
    %dma_start3A_64 = tpu.memref_slice %arg7[%dma_start3A_53] : memref<2x!tpu.dma_semaphore, #tpu.memory_space<semaphore_mem>> -> memref<1x!tpu.dma_semaphore, #tpu.memory_space<semaphore_mem>>
    %dma_start3A_65 = tpu.memref_squeeze %dma_start3A_64 : memref<1x!tpu.dma_semaphore, #tpu.memory_space<semaphore_mem>> -> memref<!tpu.dma_semaphore, #tpu.memory_space<semaphore_mem>>
    tpu.enqueue_indirect_dma source(%dma_start3A_63 : memref<1000000x64xf32, #tpu.memory_space<hbm>>) target(%dma_start3A_57 : memref<72x64xf32, #tpu.memory_space<vmem>>) offsets(%dma_start3A_60 : memref<72xi32, #tpu.memory_space<vmem>>) semaphore(%dma_start3A_65 : memref<!tpu.dma_semaphore, #tpu.memory_space<semaphore_mem>>)
    %scan3A = arith.constant 0 : i32
    %scan3A_66 = arith.constant 32 : i32
    %scan3A_67 = arith.addi %scan3A, %scan3A_66 : i32
    %scan3A_68 = arith.constant 1 : i32
    scf.for %scan3A_91 = %scan3A to %scan3A_67 step %scan3A_68  : i32 {
      %mul3A_92 = arith.constant 2 : i32
      %mul3A_93 = arith.muli %scan3A_91, %mul3A_92 : i32
      %add3A_94 = arith.constant 0 : i32
      %add3A_95 = arith.addi %add3A_94, %mul3A_93 : i32
      %add3A_96 = arith.constant 0 : i32
      %add3A_97 = arith.addi %add3A_95, %add3A_96 : i32
      %ge3A = arith.constant 1 : i32
      %ge3A_98 = arith.cmpi sge, %add3A_97, %ge3A : i32
      %convert_element_type3A = arith.extui %ge3A_98 : i1 to i32
      %cond3A = arith.constant 0 : i32
      %cond3A_99 = arith.cmpi ne, %convert_element_type3A, %cond3A : i32
      scf.if %cond3A_99 {
        %dma_wait3A_242 = arith.constant 1 : i32
        %dma_wait3A_243 = arith.constant 1 : i32
        %dma_wait3A_244 = arith.constant 0 : i32
        %dma_wait3A_245 = arith.constant 0 : i32
        %dma_wait3A_246 = arith.constant 0 : i32
        %dma_wait3A_247 = tpu.memref_slice %arg6[%dma_wait3A_242, %dma_wait3A_244, %dma_wait3A_245, %dma_wait3A_246] : memref<2x2x200x64xf32, #tpu.memory_space<vmem>> -> memref<1x2x200x64xf32, #tpu.memory_space<vmem>>
        %dma_wait3A_248 = tpu.memref_squeeze %dma_wait3A_247 : memref<1x2x200x64xf32, #tpu.memory_space<vmem>> -> memref<2x200x64xf32, #tpu.memory_space<vmem>>
        %dma_wait3A_249 = arith.constant 0 : i32
        %dma_wait3A_250 = arith.constant 0 : i32
        %dma_wait3A_251 = arith.constant 0 : i32
        %dma_wait3A_252 = tpu.memref_slice %arg4[%dma_wait3A_249, %dma_wait3A_250, %dma_wait3A_251] : memref<4096x200x64xf32, #tpu.memory_space<hbm>> -> memref<2x200x64xf32, #tpu.memory_space<hbm>>
        %dma_wait3A_253 = tpu.memref_slice %arg8[%dma_wait3A_243] : memref<2x!tpu.dma_semaphore, #tpu.memory_space<semaphore_mem>> -> memref<1x!tpu.dma_semaphore, #tpu.memory_space<semaphore_mem>>
        %dma_wait3A_254 = tpu.memref_squeeze %dma_wait3A_253 : memref<1x!tpu.dma_semaphore, #tpu.memory_space<semaphore_mem>> -> memref<!tpu.dma_semaphore, #tpu.memory_space<semaphore_mem>>
        %dma_wait3A_255 = arith.constant 0 : i32
        %dma_wait3A_256 = arith.constant 0 : i32
        %dma_wait3A_257 = arith.constant 0 : i32
        %dma_wait3A_258 = tpu.memref_slice %arg4[%dma_wait3A_255, %dma_wait3A_256, %dma_wait3A_257] : memref<4096x200x64xf32, #tpu.memory_space<hbm>> -> memref<2x200x64xf32, #tpu.memory_space<hbm>>
        %dma_wait3A_259 = arith.constant 0 : i32
        %dma_wait3A_260 = arith.constant 0 : i32
        %dma_wait3A_261 = arith.constant 0 : i32
        %dma_wait3A_262 = tpu.memref_slice %arg6[%dma_wait3A_242, %dma_wait3A_259, %dma_wait3A_260, %dma_wait3A_261] : memref<2x2x200x64xf32, #tpu.memory_space<vmem>> -> memref<1x2x200x64xf32, #tpu.memory_space<vmem>>
        %dma_wait3A_263 = tpu.memref_squeeze %dma_wait3A_262 : memref<1x2x200x64xf32, #tpu.memory_space<vmem>> -> memref<2x200x64xf32, #tpu.memory_space<vmem>>
        tpu.wait_dma2 semaphore(%dma_wait3A_254 : memref<!tpu.dma_semaphore, #tpu.memory_space<semaphore_mem>>) src(%dma_wait3A_263 : memref<2x200x64xf32, #tpu.memory_space<vmem>>) dst(%dma_wait3A_258 : memref<2x200x64xf32, #tpu.memory_space<hbm>>)
      } else {
      }
      %add3A_100 = arith.constant 1 : i32
      %add3A_101 = arith.addi %add3A_97, %add3A_100 : i32
      %lt3A = arith.constant 64 : i32
      %lt3A_102 = arith.cmpi slt, %add3A_101, %lt3A : i32
      %convert_element_type3A_103 = arith.extui %lt3A_102 : i1 to i32
      %cond3A_104 = arith.constant 0 : i32
      %cond3A_105 = arith.cmpi ne, %convert_element_type3A_103, %cond3A_104 : i32
      scf.if %cond3A_105 {
        %add3A_242 = arith.constant 1 : i32
        %add3A_243 = arith.addi %add3A_97, %add3A_242 : i32
        %mul3A_244 = arith.constant 2 : i32
        %mul3A_245 = arith.muli %mul3A_244, %add3A_243 : i32
        %add3A_246 = arith.constant 0 : i32
        %add3A_247 = arith.addi %mul3A_245, %add3A_246 : i32
        %dma_start3A_248 = arith.constant 1 : i32
        %dma_start3A_249 = arith.constant 0 : i32
        %dma_start3A_250 = arith.constant 1 : i32
        %dma_start3A_251 = arith.constant 0 : i32
        %dma_start3A_252 = arith.constant 0 : i32
        %dma_start3A_253 = tpu.memref_slice %arg6[%dma_start3A_248, %dma_start3A_249, %dma_start3A_251, %dma_start3A_252] : memref<2x2x200x64xf32, #tpu.memory_space<vmem>> -> memref<1x1x128x64xf32, #tpu.memory_space<vmem>>
        %dma_start3A_254 = tpu.memref_squeeze %dma_start3A_253 : memref<1x1x128x64xf32, #tpu.memory_space<vmem>> -> memref<128x64xf32, #tpu.memory_space<vmem>>
        %dma_start3A_255 = arith.constant 0 : i32
        %dma_start3A_256 = tpu.memref_slice %arg5[%add3A_247, %dma_start3A_255] : memref<128x200xi32, #tpu.memory_space<vmem>> -> memref<1x128xi32, #tpu.memory_space<vmem>>
        %dma_start3A_257 = tpu.memref_squeeze %dma_start3A_256 : memref<1x128xi32, #tpu.memory_space<vmem>> -> memref<128xi32, #tpu.memory_space<vmem>>
        %dma_start3A_258 = arith.constant 0 : i32
        %dma_start3A_259 = arith.constant 0 : i32
        %dma_start3A_260 = tpu.memref_slice %arg3[%dma_start3A_258, %dma_start3A_259] : memref<1000000x64xf32, #tpu.memory_space<hbm>> -> memref<1000000x64xf32, #tpu.memory_space<hbm>>
        %dma_start3A_261 = tpu.memref_slice %arg7[%dma_start3A_250] : memref<2x!tpu.dma_semaphore, #tpu.memory_space<semaphore_mem>> -> memref<1x!tpu.dma_semaphore, #tpu.memory_space<semaphore_mem>>
        %dma_start3A_262 = tpu.memref_squeeze %dma_start3A_261 : memref<1x!tpu.dma_semaphore, #tpu.memory_space<semaphore_mem>> -> memref<!tpu.dma_semaphore, #tpu.memory_space<semaphore_mem>>
        tpu.enqueue_indirect_dma source(%dma_start3A_260 : memref<1000000x64xf32, #tpu.memory_space<hbm>>) target(%dma_start3A_254 : memref<128x64xf32, #tpu.memory_space<vmem>>) offsets(%dma_start3A_257 : memref<128xi32, #tpu.memory_space<vmem>>) semaphore(%dma_start3A_262 : memref<!tpu.dma_semaphore, #tpu.memory_space<semaphore_mem>>)
        %mul3A_263 = arith.constant 2 : i32
        %mul3A_264 = arith.muli %mul3A_263, %add3A_243 : i32
        %add3A_265 = arith.constant 0 : i32
        %add3A_266 = arith.addi %mul3A_264, %add3A_265 : i32
        %dma_start3A_267 = arith.constant 1 : i32
        %dma_start3A_268 = arith.constant 0 : i32
        %dma_start3A_269 = arith.constant 1 : i32
        %dma_start3A_270 = arith.constant 128 : i32
        %dma_start3A_271 = arith.constant 0 : i32
        %dma_start3A_272 = tpu.memref_slice %arg6[%dma_start3A_267, %dma_start3A_268, %dma_start3A_270, %dma_start3A_271] : memref<2x2x200x64xf32, #tpu.memory_space<vmem>> -> memref<1x1x72x64xf32, #tpu.memory_space<vmem>>
        %dma_start3A_273 = tpu.memref_squeeze %dma_start3A_272 : memref<1x1x72x64xf32, #tpu.memory_space<vmem>> -> memref<72x64xf32, #tpu.memory_space<vmem>>
        %dma_start3A_274 = arith.constant 128 : i32
        %dma_start3A_275 = tpu.memref_slice %arg5[%add3A_266, %dma_start3A_274] : memref<128x200xi32, #tpu.memory_space<vmem>> -> memref<1x72xi32, #tpu.memory_space<vmem>>
        %dma_start3A_276 = tpu.memref_squeeze %dma_start3A_275 : memref<1x72xi32, #tpu.memory_space<vmem>> -> memref<72xi32, #tpu.memory_space<vmem>>
        %dma_start3A_277 = arith.constant 0 : i32
        %dma_start3A_278 = arith.constant 0 : i32
        %dma_start3A_279 = tpu.memref_slice %arg3[%dma_start3A_277, %dma_start3A_278] : memref<1000000x64xf32, #tpu.memory_space<hbm>> -> memref<1000000x64xf32, #tpu.memory_space<hbm>>
        %dma_start3A_280 = tpu.memref_slice %arg7[%dma_start3A_269] : memref<2x!tpu.dma_semaphore, #tpu.memory_space<semaphore_mem>> -> memref<1x!tpu.dma_semaphore, #tpu.memory_space<semaphore_mem>>
        %dma_start3A_281 = tpu.memref_squeeze %dma_start3A_280 : memref<1x!tpu.dma_semaphore, #tpu.memory_space<semaphore_mem>> -> memref<!tpu.dma_semaphore, #tpu.memory_space<semaphore_mem>>
        tpu.enqueue_indirect_dma source(%dma_start3A_279 : memref<1000000x64xf32, #tpu.memory_space<hbm>>) target(%dma_start3A_273 : memref<72x64xf32, #tpu.memory_space<vmem>>) offsets(%dma_start3A_276 : memref<72xi32, #tpu.memory_space<vmem>>) semaphore(%dma_start3A_281 : memref<!tpu.dma_semaphore, #tpu.memory_space<semaphore_mem>>)
        %mul3A_282 = arith.constant 2 : i32
        %mul3A_283 = arith.muli %mul3A_282, %add3A_243 : i32
        %add3A_284 = arith.constant 1 : i32
        %add3A_285 = arith.addi %mul3A_283, %add3A_284 : i32
        %dma_start3A_286 = arith.constant 1 : i32
        %dma_start3A_287 = arith.constant 1 : i32
        %dma_start3A_288 = arith.constant 1 : i32
        %dma_start3A_289 = arith.constant 0 : i32
        %dma_start3A_290 = arith.constant 0 : i32
        %dma_start3A_291 = tpu.memref_slice %arg6[%dma_start3A_286, %dma_start3A_287, %dma_start3A_289, %dma_start3A_290] : memref<2x2x200x64xf32, #tpu.memory_space<vmem>> -> memref<1x1x128x64xf32, #tpu.memory_space<vmem>>
        %dma_start3A_292 = tpu.memref_squeeze %dma_start3A_291 : memref<1x1x128x64xf32, #tpu.memory_space<vmem>> -> memref<128x64xf32, #tpu.memory_space<vmem>>
        %dma_start3A_293 = arith.constant 0 : i32
        %dma_start3A_294 = tpu.memref_slice %arg5[%add3A_285, %dma_start3A_293] : memref<128x200xi32, #tpu.memory_space<vmem>> -> memref<1x128xi32, #tpu.memory_space<vmem>>
        %dma_start3A_295 = tpu.memref_squeeze %dma_start3A_294 : memref<1x128xi32, #tpu.memory_space<vmem>> -> memref<128xi32, #tpu.memory_space<vmem>>
        %dma_start3A_296 = arith.constant 0 : i32
        %dma_start3A_297 = arith.constant 0 : i32
        %dma_start3A_298 = tpu.memref_slice %arg3[%dma_start3A_296, %dma_start3A_297] : memref<1000000x64xf32, #tpu.memory_space<hbm>> -> memref<1000000x64xf32, #tpu.memory_space<hbm>>
        %dma_start3A_299 = tpu.memref_slice %arg7[%dma_start3A_288] : memref<2x!tpu.dma_semaphore, #tpu.memory_space<semaphore_mem>> -> memref<1x!tpu.dma_semaphore, #tpu.memory_space<semaphore_mem>>
        %dma_start3A_300 = tpu.memref_squeeze %dma_start3A_299 : memref<1x!tpu.dma_semaphore, #tpu.memory_space<semaphore_mem>> -> memref<!tpu.dma_semaphore, #tpu.memory_space<semaphore_mem>>
        tpu.enqueue_indirect_dma source(%dma_start3A_298 : memref<1000000x64xf32, #tpu.memory_space<hbm>>) target(%dma_start3A_292 : memref<128x64xf32, #tpu.memory_space<vmem>>) offsets(%dma_start3A_295 : memref<128xi32, #tpu.memory_space<vmem>>) semaphore(%dma_start3A_300 : memref<!tpu.dma_semaphore, #tpu.memory_space<semaphore_mem>>)
        %mul3A_301 = arith.constant 2 : i32
        %mul3A_302 = arith.muli %mul3A_301, %add3A_243 : i32
        %add3A_303 = arith.constant 1 : i32
        %add3A_304 = arith.addi %mul3A_302, %add3A_303 : i32
        %dma_start3A_305 = arith.constant 1 : i32
        %dma_start3A_306 = arith.constant 1 : i32
        %dma_start3A_307 = arith.constant 1 : i32
        %dma_start3A_308 = arith.constant 128 : i32
        %dma_start3A_309 = arith.constant 0 : i32
        %dma_start3A_310 = tpu.memref_slice %arg6[%dma_start3A_305, %dma_start3A_306, %dma_start3A_308, %dma_start3A_309] : memref<2x2x200x64xf32, #tpu.memory_space<vmem>> -> memref<1x1x72x64xf32, #tpu.memory_space<vmem>>
        %dma_start3A_311 = tpu.memref_squeeze %dma_start3A_310 : memref<1x1x72x64xf32, #tpu.memory_space<vmem>> -> memref<72x64xf32, #tpu.memory_space<vmem>>
        %dma_start3A_312 = arith.constant 128 : i32
        %dma_start3A_313 = tpu.memref_slice %arg5[%add3A_304, %dma_start3A_312] : memref<128x200xi32, #tpu.memory_space<vmem>> -> memref<1x72xi32, #tpu.memory_space<vmem>>
        %dma_start3A_314 = tpu.memref_squeeze %dma_start3A_313 : memref<1x72xi32, #tpu.memory_space<vmem>> -> memref<72xi32, #tpu.memory_space<vmem>>
        %dma_start3A_315 = arith.constant 0 : i32
        %dma_start3A_316 = arith.constant 0 : i32
        %dma_start3A_317 = tpu.memref_slice %arg3[%dma_start3A_315, %dma_start3A_316] : memref<1000000x64xf32, #tpu.memory_space<hbm>> -> memref<1000000x64xf32, #tpu.memory_space<hbm>>
        %dma_start3A_318 = tpu.memref_slice %arg7[%dma_start3A_307] : memref<2x!tpu.dma_semaphore, #tpu.memory_space<semaphore_mem>> -> memref<1x!tpu.dma_semaphore, #tpu.memory_space<semaphore_mem>>
        %dma_start3A_319 = tpu.memref_squeeze %dma_start3A_318 : memref<1x!tpu.dma_semaphore, #tpu.memory_space<semaphore_mem>> -> memref<!tpu.dma_semaphore, #tpu.memory_space<semaphore_mem>>
        tpu.enqueue_indirect_dma source(%dma_start3A_317 : memref<1000000x64xf32, #tpu.memory_space<hbm>>) target(%dma_start3A_311 : memref<72x64xf32, #tpu.memory_space<vmem>>) offsets(%dma_start3A_314 : memref<72xi32, #tpu.memory_space<vmem>>) semaphore(%dma_start3A_319 : memref<!tpu.dma_semaphore, #tpu.memory_space<semaphore_mem>>)
      } else {
      }
      %dma_wait3A_106 = arith.constant 0 : i32
      %dma_wait3A_107 = arith.constant 0 : i32
      %dma_wait3A_108 = arith.constant 0 : i32
      %dma_wait3A_109 = arith.constant 0 : i32
      %dma_wait3A_110 = arith.constant 0 : i32
      %dma_wait3A_111 = tpu.memref_slice %arg6[%dma_wait3A_106, %dma_wait3A_107, %dma_wait3A_109, %dma_wait3A_110] : memref<2x2x200x64xf32, #tpu.memory_space<vmem>> -> memref<1x1x200x64xf32, #tpu.memory_space<vmem>>
      %dma_wait3A_112 = tpu.memref_squeeze %dma_wait3A_111 : memref<1x1x200x64xf32, #tpu.memory_space<vmem>> -> memref<200x64xf32, #tpu.memory_space<vmem>>
      %dma_wait3A_113 = arith.constant 0 : i32
      %dma_wait3A_114 = arith.constant 0 : i32
      %dma_wait3A_115 = tpu.memref_slice %arg3[%dma_wait3A_113, %dma_wait3A_114] : memref<1000000x64xf32, #tpu.memory_space<hbm>> -> memref<200x64xf32, #tpu.memory_space<hbm>>
      %dma_wait3A_116 = tpu.memref_slice %arg7[%dma_wait3A_108] : memref<2x!tpu.dma_semaphore, #tpu.memory_space<semaphore_mem>> -> memref<1x!tpu.dma_semaphore, #tpu.memory_space<semaphore_mem>>
      %dma_wait3A_117 = tpu.memref_squeeze %dma_wait3A_116 : memref<1x!tpu.dma_semaphore, #tpu.memory_space<semaphore_mem>> -> memref<!tpu.dma_semaphore, #tpu.memory_space<semaphore_mem>>
      %dma_wait3A_118 = arith.constant 0 : i32
      %dma_wait3A_119 = arith.constant 0 : i32
      %dma_wait3A_120 = tpu.memref_slice %arg6[%dma_wait3A_106, %dma_wait3A_107, %dma_wait3A_118, %dma_wait3A_119] : memref<2x2x200x64xf32, #tpu.memory_space<vmem>> -> memref<1x1x200x64xf32, #tpu.memory_space<vmem>>
      %dma_wait3A_121 = tpu.memref_squeeze %dma_wait3A_120 : memref<1x1x200x64xf32, #tpu.memory_space<vmem>> -> memref<200x64xf32, #tpu.memory_space<vmem>>
      %dma_wait3A_122 = arith.constant 0 : i32
      %dma_wait3A_123 = arith.constant 0 : i32
      %dma_wait3A_124 = tpu.memref_slice %arg3[%dma_wait3A_122, %dma_wait3A_123] : memref<1000000x64xf32, #tpu.memory_space<hbm>> -> memref<200x64xf32, #tpu.memory_space<hbm>>
      tpu.wait_dma2 semaphore(%dma_wait3A_117 : memref<!tpu.dma_semaphore, #tpu.memory_space<semaphore_mem>>) src(%dma_wait3A_124 : memref<200x64xf32, #tpu.memory_space<hbm>>) dst(%dma_wait3A_121 : memref<200x64xf32, #tpu.memory_space<vmem>>)
      %dma_wait3A_125 = arith.constant 0 : i32
      %dma_wait3A_126 = arith.constant 1 : i32
      %dma_wait3A_127 = arith.constant 0 : i32
      %dma_wait3A_128 = arith.constant 0 : i32
      %dma_wait3A_129 = arith.constant 0 : i32
      %dma_wait3A_130 = tpu.memref_slice %arg6[%dma_wait3A_125, %dma_wait3A_126, %dma_wait3A_128, %dma_wait3A_129] : memref<2x2x200x64xf32, #tpu.memory_space<vmem>> -> memref<1x1x200x64xf32, #tpu.memory_space<vmem>>
      %dma_wait3A_131 = tpu.memref_squeeze %dma_wait3A_130 : memref<1x1x200x64xf32, #tpu.memory_space<vmem>> -> memref<200x64xf32, #tpu.memory_space<vmem>>
      %dma_wait3A_132 = arith.constant 0 : i32
      %dma_wait3A_133 = arith.constant 0 : i32
      %dma_wait3A_134 = tpu.memref_slice %arg3[%dma_wait3A_132, %dma_wait3A_133] : memref<1000000x64xf32, #tpu.memory_space<hbm>> -> memref<200x64xf32, #tpu.memory_space<hbm>>
      %dma_wait3A_135 = tpu.memref_slice %arg7[%dma_wait3A_127] : memref<2x!tpu.dma_semaphore, #tpu.memory_space<semaphore_mem>> -> memref<1x!tpu.dma_semaphore, #tpu.memory_space<semaphore_mem>>
      %dma_wait3A_136 = tpu.memref_squeeze %dma_wait3A_135 : memref<1x!tpu.dma_semaphore, #tpu.memory_space<semaphore_mem>> -> memref<!tpu.dma_semaphore, #tpu.memory_space<semaphore_mem>>
      %dma_wait3A_137 = arith.constant 0 : i32
      %dma_wait3A_138 = arith.constant 0 : i32
      %dma_wait3A_139 = tpu.memref_slice %arg6[%dma_wait3A_125, %dma_wait3A_126, %dma_wait3A_137, %dma_wait3A_138] : memref<2x2x200x64xf32, #tpu.memory_space<vmem>> -> memref<1x1x200x64xf32, #tpu.memory_space<vmem>>
      %dma_wait3A_140 = tpu.memref_squeeze %dma_wait3A_139 : memref<1x1x200x64xf32, #tpu.memory_space<vmem>> -> memref<200x64xf32, #tpu.memory_space<vmem>>
      %dma_wait3A_141 = arith.constant 0 : i32
      %dma_wait3A_142 = arith.constant 0 : i32
      %dma_wait3A_143 = tpu.memref_slice %arg3[%dma_wait3A_141, %dma_wait3A_142] : memref<1000000x64xf32, #tpu.memory_space<hbm>> -> memref<200x64xf32, #tpu.memory_space<hbm>>
      tpu.wait_dma2 semaphore(%dma_wait3A_136 : memref<!tpu.dma_semaphore, #tpu.memory_space<semaphore_mem>>) src(%dma_wait3A_143 : memref<200x64xf32, #tpu.memory_space<hbm>>) dst(%dma_wait3A_140 : memref<200x64xf32, #tpu.memory_space<vmem>>)
      %mul3A_144 = arith.constant 2 : i32
      %mul3A_145 = arith.muli %mul3A_144, %add3A_97 : i32
      %add3A_146 = arith.addi %mul3A_2, %mul3A_145 : i32
      %dma_start3A_147 = arith.constant 0 : i32
      %dma_start3A_148 = arith.constant 0 : i32
      %dma_start3A_149 = arith.constant 0 : i32
      %dma_start3A_150 = arith.constant 0 : i32
      %dma_start3A_151 = arith.constant 0 : i32
      %dma_start3A_152 = tpu.memref_slice %arg6[%dma_start3A_147, %dma_start3A_149, %dma_start3A_150, %dma_start3A_151] : memref<2x2x200x64xf32, #tpu.memory_space<vmem>> -> memref<1x2x200x64xf32, #tpu.memory_space<vmem>>
      %dma_start3A_153 = tpu.memref_squeeze %dma_start3A_152 : memref<1x2x200x64xf32, #tpu.memory_space<vmem>> -> memref<2x200x64xf32, #tpu.memory_space<vmem>>
      %dma_start3A_154 = arith.constant 0 : i32
      %dma_start3A_155 = arith.constant 0 : i32
      %dma_start3A_156 = tpu.memref_slice %arg4[%add3A_146, %dma_start3A_154, %dma_start3A_155] : memref<4096x200x64xf32, #tpu.memory_space<hbm>> -> memref<2x200x64xf32, #tpu.memory_space<hbm>>
      %dma_start3A_157 = tpu.memref_slice %arg8[%dma_start3A_148] : memref<2x!tpu.dma_semaphore, #tpu.memory_space<semaphore_mem>> -> memref<1x!tpu.dma_semaphore, #tpu.memory_space<semaphore_mem>>
      %dma_start3A_158 = tpu.memref_squeeze %dma_start3A_157 : memref<1x!tpu.dma_semaphore, #tpu.memory_space<semaphore_mem>> -> memref<!tpu.dma_semaphore, #tpu.memory_space<semaphore_mem>>
      %dma_start3A_159 = arith.constant 0 : i32
      %dma_start3A_160 = arith.constant 0 : i32
      %dma_start3A_161 = tpu.memref_slice %arg4[%add3A_146, %dma_start3A_159, %dma_start3A_160] : memref<4096x200x64xf32, #tpu.memory_space<hbm>> -> memref<2x200x64xf32, #tpu.memory_space<hbm>>
      %dma_start3A_162 = arith.constant 0 : i32
      %dma_start3A_163 = arith.constant 0 : i32
      %dma_start3A_164 = arith.constant 0 : i32
      %dma_start3A_165 = tpu.memref_slice %arg6[%dma_start3A_147, %dma_start3A_162, %dma_start3A_163, %dma_start3A_164] : memref<2x2x200x64xf32, #tpu.memory_space<vmem>> -> memref<1x2x200x64xf32, #tpu.memory_space<vmem>>
      %dma_start3A_166 = tpu.memref_squeeze %dma_start3A_165 : memref<1x2x200x64xf32, #tpu.memory_space<vmem>> -> memref<2x200x64xf32, #tpu.memory_space<vmem>>
      tpu.enqueue_dma source(%dma_start3A_166 : memref<2x200x64xf32, #tpu.memory_space<vmem>>) target(%dma_start3A_161 : memref<2x200x64xf32, #tpu.memory_space<hbm>>) target_semaphore(%dma_start3A_158 : memref<!tpu.dma_semaphore, #tpu.memory_space<semaphore_mem>>)
      %add3A_167 = arith.constant 1 : i32
      %add3A_168 = arith.addi %add3A_95, %add3A_167 : i32
      %ge3A_169 = arith.constant 1 : i32
      %ge3A_170 = arith.cmpi sge, %add3A_168, %ge3A_169 : i32
      %convert_element_type3A_171 = arith.extui %ge3A_170 : i1 to i32
      %cond3A_172 = arith.constant 0 : i32
      %cond3A_173 = arith.cmpi ne, %convert_element_type3A_171, %cond3A_172 : i32
      scf.if %cond3A_173 {
        %dma_wait3A_242 = arith.constant 0 : i32
        %dma_wait3A_243 = arith.constant 0 : i32
        %dma_wait3A_244 = arith.constant 0 : i32
        %dma_wait3A_245 = arith.constant 0 : i32
        %dma_wait3A_246 = arith.constant 0 : i32
        %dma_wait3A_247 = tpu.memref_slice %arg6[%dma_wait3A_242, %dma_wait3A_244, %dma_wait3A_245, %dma_wait3A_246] : memref<2x2x200x64xf32, #tpu.memory_space<vmem>> -> memref<1x2x200x64xf32, #tpu.memory_space<vmem>>
        %dma_wait3A_248 = tpu.memref_squeeze %dma_wait3A_247 : memref<1x2x200x64xf32, #tpu.memory_space<vmem>> -> memref<2x200x64xf32, #tpu.memory_space<vmem>>
        %dma_wait3A_249 = arith.constant 0 : i32
        %dma_wait3A_250 = arith.constant 0 : i32
        %dma_wait3A_251 = arith.constant 0 : i32
        %dma_wait3A_252 = tpu.memref_slice %arg4[%dma_wait3A_249, %dma_wait3A_250, %dma_wait3A_251] : memref<4096x200x64xf32, #tpu.memory_space<hbm>> -> memref<2x200x64xf32, #tpu.memory_space<hbm>>
        %dma_wait3A_253 = tpu.memref_slice %arg8[%dma_wait3A_243] : memref<2x!tpu.dma_semaphore, #tpu.memory_space<semaphore_mem>> -> memref<1x!tpu.dma_semaphore, #tpu.memory_space<semaphore_mem>>
        %dma_wait3A_254 = tpu.memref_squeeze %dma_wait3A_253 : memref<1x!tpu.dma_semaphore, #tpu.memory_space<semaphore_mem>> -> memref<!tpu.dma_semaphore, #tpu.memory_space<semaphore_mem>>
        %dma_wait3A_255 = arith.constant 0 : i32
        %dma_wait3A_256 = arith.constant 0 : i32
        %dma_wait3A_257 = arith.constant 0 : i32
        %dma_wait3A_258 = tpu.memref_slice %arg4[%dma_wait3A_255, %dma_wait3A_256, %dma_wait3A_257] : memref<4096x200x64xf32, #tpu.memory_space<hbm>> -> memref<2x200x64xf32, #tpu.memory_space<hbm>>
        %dma_wait3A_259 = arith.constant 0 : i32
        %dma_wait3A_260 = arith.constant 0 : i32
        %dma_wait3A_261 = arith.constant 0 : i32
        %dma_wait3A_262 = tpu.memref_slice %arg6[%dma_wait3A_242, %dma_wait3A_259, %dma_wait3A_260, %dma_wait3A_261] : memref<2x2x200x64xf32, #tpu.memory_space<vmem>> -> memref<1x2x200x64xf32, #tpu.memory_space<vmem>>
        %dma_wait3A_263 = tpu.memref_squeeze %dma_wait3A_262 : memref<1x2x200x64xf32, #tpu.memory_space<vmem>> -> memref<2x200x64xf32, #tpu.memory_space<vmem>>
        tpu.wait_dma2 semaphore(%dma_wait3A_254 : memref<!tpu.dma_semaphore, #tpu.memory_space<semaphore_mem>>) src(%dma_wait3A_263 : memref<2x200x64xf32, #tpu.memory_space<vmem>>) dst(%dma_wait3A_258 : memref<2x200x64xf32, #tpu.memory_space<hbm>>)
      } else {
      }
      %add3A_174 = arith.constant 1 : i32
      %add3A_175 = arith.addi %add3A_168, %add3A_174 : i32
      %lt3A_176 = arith.constant 64 : i32
      %lt3A_177 = arith.cmpi slt, %add3A_175, %lt3A_176 : i32
      %convert_element_type3A_178 = arith.extui %lt3A_177 : i1 to i32
      %cond3A_179 = arith.constant 0 : i32
      %cond3A_180 = arith.cmpi ne, %convert_element_type3A_178, %cond3A_179 : i32
      scf.if %cond3A_180 {
        %add3A_242 = arith.constant 1 : i32
        %add3A_243 = arith.addi %add3A_168, %add3A_242 : i32
        %mul3A_244 = arith.constant 2 : i32
        %mul3A_245 = arith.muli %mul3A_244, %add3A_243 : i32
        %add3A_246 = arith.constant 0 : i32
        %add3A_247 = arith.addi %mul3A_245, %add3A_246 : i32
        %dma_start3A_248 = arith.constant 0 : i32
        %dma_start3A_249 = arith.constant 0 : i32
        %dma_start3A_250 = arith.constant 0 : i32
        %dma_start3A_251 = arith.constant 0 : i32
        %dma_start3A_252 = arith.constant 0 : i32
        %dma_start3A_253 = tpu.memref_slice %arg6[%dma_start3A_248, %dma_start3A_249, %dma_start3A_251, %dma_start3A_252] : memref<2x2x200x64xf32, #tpu.memory_space<vmem>> -> memref<1x1x128x64xf32, #tpu.memory_space<vmem>>
        %dma_start3A_254 = tpu.memref_squeeze %dma_start3A_253 : memref<1x1x128x64xf32, #tpu.memory_space<vmem>> -> memref<128x64xf32, #tpu.memory_space<vmem>>
        %dma_start3A_255 = arith.constant 0 : i32
        %dma_start3A_256 = tpu.memref_slice %arg5[%add3A_247, %dma_start3A_255] : memref<128x200xi32, #tpu.memory_space<vmem>> -> memref<1x128xi32, #tpu.memory_space<vmem>>
        %dma_start3A_257 = tpu.memref_squeeze %dma_start3A_256 : memref<1x128xi32, #tpu.memory_space<vmem>> -> memref<128xi32, #tpu.memory_space<vmem>>
        %dma_start3A_258 = arith.constant 0 : i32
        %dma_start3A_259 = arith.constant 0 : i32
        %dma_start3A_260 = tpu.memref_slice %arg3[%dma_start3A_258, %dma_start3A_259] : memref<1000000x64xf32, #tpu.memory_space<hbm>> -> memref<1000000x64xf32, #tpu.memory_space<hbm>>
        %dma_start3A_261 = tpu.memref_slice %arg7[%dma_start3A_250] : memref<2x!tpu.dma_semaphore, #tpu.memory_space<semaphore_mem>> -> memref<1x!tpu.dma_semaphore, #tpu.memory_space<semaphore_mem>>
        %dma_start3A_262 = tpu.memref_squeeze %dma_start3A_261 : memref<1x!tpu.dma_semaphore, #tpu.memory_space<semaphore_mem>> -> memref<!tpu.dma_semaphore, #tpu.memory_space<semaphore_mem>>
        tpu.enqueue_indirect_dma source(%dma_start3A_260 : memref<1000000x64xf32, #tpu.memory_space<hbm>>) target(%dma_start3A_254 : memref<128x64xf32, #tpu.memory_space<vmem>>) offsets(%dma_start3A_257 : memref<128xi32, #tpu.memory_space<vmem>>) semaphore(%dma_start3A_262 : memref<!tpu.dma_semaphore, #tpu.memory_space<semaphore_mem>>)
        %mul3A_263 = arith.constant 2 : i32
        %mul3A_264 = arith.muli %mul3A_263, %add3A_243 : i32
        %add3A_265 = arith.constant 0 : i32
        %add3A_266 = arith.addi %mul3A_264, %add3A_265 : i32
        %dma_start3A_267 = arith.constant 0 : i32
        %dma_start3A_268 = arith.constant 0 : i32
        %dma_start3A_269 = arith.constant 0 : i32
        %dma_start3A_270 = arith.constant 128 : i32
        %dma_start3A_271 = arith.constant 0 : i32
        %dma_start3A_272 = tpu.memref_slice %arg6[%dma_start3A_267, %dma_start3A_268, %dma_start3A_270, %dma_start3A_271] : memref<2x2x200x64xf32, #tpu.memory_space<vmem>> -> memref<1x1x72x64xf32, #tpu.memory_space<vmem>>
        %dma_start3A_273 = tpu.memref_squeeze %dma_start3A_272 : memref<1x1x72x64xf32, #tpu.memory_space<vmem>> -> memref<72x64xf32, #tpu.memory_space<vmem>>
        %dma_start3A_274 = arith.constant 128 : i32
        %dma_start3A_275 = tpu.memref_slice %arg5[%add3A_266, %dma_start3A_274] : memref<128x200xi32, #tpu.memory_space<vmem>> -> memref<1x72xi32, #tpu.memory_space<vmem>>
        %dma_start3A_276 = tpu.memref_squeeze %dma_start3A_275 : memref<1x72xi32, #tpu.memory_space<vmem>> -> memref<72xi32, #tpu.memory_space<vmem>>
        %dma_start3A_277 = arith.constant 0 : i32
        %dma_start3A_278 = arith.constant 0 : i32
        %dma_start3A_279 = tpu.memref_slice %arg3[%dma_start3A_277, %dma_start3A_278] : memref<1000000x64xf32, #tpu.memory_space<hbm>> -> memref<1000000x64xf32, #tpu.memory_space<hbm>>
        %dma_start3A_280 = tpu.memref_slice %arg7[%dma_start3A_269] : memref<2x!tpu.dma_semaphore, #tpu.memory_space<semaphore_mem>> -> memref<1x!tpu.dma_semaphore, #tpu.memory_space<semaphore_mem>>
        %dma_start3A_281 = tpu.memref_squeeze %dma_start3A_280 : memref<1x!tpu.dma_semaphore, #tpu.memory_space<semaphore_mem>> -> memref<!tpu.dma_semaphore, #tpu.memory_space<semaphore_mem>>
        tpu.enqueue_indirect_dma source(%dma_start3A_279 : memref<1000000x64xf32, #tpu.memory_space<hbm>>) target(%dma_start3A_273 : memref<72x64xf32, #tpu.memory_space<vmem>>) offsets(%dma_start3A_276 : memref<72xi32, #tpu.memory_space<vmem>>) semaphore(%dma_start3A_281 : memref<!tpu.dma_semaphore, #tpu.memory_space<semaphore_mem>>)
        %mul3A_282 = arith.constant 2 : i32
        %mul3A_283 = arith.muli %mul3A_282, %add3A_243 : i32
        %add3A_284 = arith.constant 1 : i32
        %add3A_285 = arith.addi %mul3A_283, %add3A_284 : i32
        %dma_start3A_286 = arith.constant 0 : i32
        %dma_start3A_287 = arith.constant 1 : i32
        %dma_start3A_288 = arith.constant 0 : i32
        %dma_start3A_289 = arith.constant 0 : i32
        %dma_start3A_290 = arith.constant 0 : i32
        %dma_start3A_291 = tpu.memref_slice %arg6[%dma_start3A_286, %dma_start3A_287, %dma_start3A_289, %dma_start3A_290] : memref<2x2x200x64xf32, #tpu.memory_space<vmem>> -> memref<1x1x128x64xf32, #tpu.memory_space<vmem>>
        %dma_start3A_292 = tpu.memref_squeeze %dma_start3A_291 : memref<1x1x128x64xf32, #tpu.memory_space<vmem>> -> memref<128x64xf32, #tpu.memory_space<vmem>>
        %dma_start3A_293 = arith.constant 0 : i32
        %dma_start3A_294 = tpu.memref_slice %arg5[%add3A_285, %dma_start3A_293] : memref<128x200xi32, #tpu.memory_space<vmem>> -> memref<1x128xi32, #tpu.memory_space<vmem>>
        %dma_start3A_295 = tpu.memref_squeeze %dma_start3A_294 : memref<1x128xi32, #tpu.memory_space<vmem>> -> memref<128xi32, #tpu.memory_space<vmem>>
        %dma_start3A_296 = arith.constant 0 : i32
        %dma_start3A_297 = arith.constant 0 : i32
        %dma_start3A_298 = tpu.memref_slice %arg3[%dma_start3A_296, %dma_start3A_297] : memref<1000000x64xf32, #tpu.memory_space<hbm>> -> memref<1000000x64xf32, #tpu.memory_space<hbm>>
        %dma_start3A_299 = tpu.memref_slice %arg7[%dma_start3A_288] : memref<2x!tpu.dma_semaphore, #tpu.memory_space<semaphore_mem>> -> memref<1x!tpu.dma_semaphore, #tpu.memory_space<semaphore_mem>>
        %dma_start3A_300 = tpu.memref_squeeze %dma_start3A_299 : memref<1x!tpu.dma_semaphore, #tpu.memory_space<semaphore_mem>> -> memref<!tpu.dma_semaphore, #tpu.memory_space<semaphore_mem>>
        tpu.enqueue_indirect_dma source(%dma_start3A_298 : memref<1000000x64xf32, #tpu.memory_space<hbm>>) target(%dma_start3A_292 : memref<128x64xf32, #tpu.memory_space<vmem>>) offsets(%dma_start3A_295 : memref<128xi32, #tpu.memory_space<vmem>>) semaphore(%dma_start3A_300 : memref<!tpu.dma_semaphore, #tpu.memory_space<semaphore_mem>>)
        %mul3A_301 = arith.constant 2 : i32
        %mul3A_302 = arith.muli %mul3A_301, %add3A_243 : i32
        %add3A_303 = arith.constant 1 : i32
        %add3A_304 = arith.addi %mul3A_302, %add3A_303 : i32
        %dma_start3A_305 = arith.constant 0 : i32
        %dma_start3A_306 = arith.constant 1 : i32
        %dma_start3A_307 = arith.constant 0 : i32
        %dma_start3A_308 = arith.constant 128 : i32
        %dma_start3A_309 = arith.constant 0 : i32
        %dma_start3A_310 = tpu.memref_slice %arg6[%dma_start3A_305, %dma_start3A_306, %dma_start3A_308, %dma_start3A_309] : memref<2x2x200x64xf32, #tpu.memory_space<vmem>> -> memref<1x1x72x64xf32, #tpu.memory_space<vmem>>
        %dma_start3A_311 = tpu.memref_squeeze %dma_start3A_310 : memref<1x1x72x64xf32, #tpu.memory_space<vmem>> -> memref<72x64xf32, #tpu.memory_space<vmem>>
        %dma_start3A_312 = arith.constant 128 : i32
        %dma_start3A_313 = tpu.memref_slice %arg5[%add3A_304, %dma_start3A_312] : memref<128x200xi32, #tpu.memory_space<vmem>> -> memref<1x72xi32, #tpu.memory_space<vmem>>
        %dma_start3A_314 = tpu.memref_squeeze %dma_start3A_313 : memref<1x72xi32, #tpu.memory_space<vmem>> -> memref<72xi32, #tpu.memory_space<vmem>>
        %dma_start3A_315 = arith.constant 0 : i32
        %dma_start3A_316 = arith.constant 0 : i32
        %dma_start3A_317 = tpu.memref_slice %arg3[%dma_start3A_315, %dma_start3A_316] : memref<1000000x64xf32, #tpu.memory_space<hbm>> -> memref<1000000x64xf32, #tpu.memory_space<hbm>>
        %dma_start3A_318 = tpu.memref_slice %arg7[%dma_start3A_307] : memref<2x!tpu.dma_semaphore, #tpu.memory_space<semaphore_mem>> -> memref<1x!tpu.dma_semaphore, #tpu.memory_space<semaphore_mem>>
        %dma_start3A_319 = tpu.memref_squeeze %dma_start3A_318 : memref<1x!tpu.dma_semaphore, #tpu.memory_space<semaphore_mem>> -> memref<!tpu.dma_semaphore, #tpu.memory_space<semaphore_mem>>
        tpu.enqueue_indirect_dma source(%dma_start3A_317 : memref<1000000x64xf32, #tpu.memory_space<hbm>>) target(%dma_start3A_311 : memref<72x64xf32, #tpu.memory_space<vmem>>) offsets(%dma_start3A_314 : memref<72xi32, #tpu.memory_space<vmem>>) semaphore(%dma_start3A_319 : memref<!tpu.dma_semaphore, #tpu.memory_space<semaphore_mem>>)
      } else {
      }
      %dma_wait3A_181 = arith.constant 1 : i32
      %dma_wait3A_182 = arith.constant 0 : i32
      %dma_wait3A_183 = arith.constant 1 : i32
      %dma_wait3A_184 = arith.constant 0 : i32
      %dma_wait3A_185 = arith.constant 0 : i32
      %dma_wait3A_186 = tpu.memref_slice %arg6[%dma_wait3A_181, %dma_wait3A_182, %dma_wait3A_184, %dma_wait3A_185] : memref<2x2x200x64xf32, #tpu.memory_space<vmem>> -> memref<1x1x200x64xf32, #tpu.memory_space<vmem>>
      %dma_wait3A_187 = tpu.memref_squeeze %dma_wait3A_186 : memref<1x1x200x64xf32, #tpu.memory_space<vmem>> -> memref<200x64xf32, #tpu.memory_space<vmem>>
      %dma_wait3A_188 = arith.constant 0 : i32
      %dma_wait3A_189 = arith.constant 0 : i32
      %dma_wait3A_190 = tpu.memref_slice %arg3[%dma_wait3A_188, %dma_wait3A_189] : memref<1000000x64xf32, #tpu.memory_space<hbm>> -> memref<200x64xf32, #tpu.memory_space<hbm>>
      %dma_wait3A_191 = tpu.memref_slice %arg7[%dma_wait3A_183] : memref<2x!tpu.dma_semaphore, #tpu.memory_space<semaphore_mem>> -> memref<1x!tpu.dma_semaphore, #tpu.memory_space<semaphore_mem>>
      %dma_wait3A_192 = tpu.memref_squeeze %dma_wait3A_191 : memref<1x!tpu.dma_semaphore, #tpu.memory_space<semaphore_mem>> -> memref<!tpu.dma_semaphore, #tpu.memory_space<semaphore_mem>>
      %dma_wait3A_193 = arith.constant 0 : i32
      %dma_wait3A_194 = arith.constant 0 : i32
      %dma_wait3A_195 = tpu.memref_slice %arg6[%dma_wait3A_181, %dma_wait3A_182, %dma_wait3A_193, %dma_wait3A_194] : memref<2x2x200x64xf32, #tpu.memory_space<vmem>> -> memref<1x1x200x64xf32, #tpu.memory_space<vmem>>
      %dma_wait3A_196 = tpu.memref_squeeze %dma_wait3A_195 : memref<1x1x200x64xf32, #tpu.memory_space<vmem>> -> memref<200x64xf32, #tpu.memory_space<vmem>>
      %dma_wait3A_197 = arith.constant 0 : i32
      %dma_wait3A_198 = arith.constant 0 : i32
      %dma_wait3A_199 = tpu.memref_slice %arg3[%dma_wait3A_197, %dma_wait3A_198] : memref<1000000x64xf32, #tpu.memory_space<hbm>> -> memref<200x64xf32, #tpu.memory_space<hbm>>
      tpu.wait_dma2 semaphore(%dma_wait3A_192 : memref<!tpu.dma_semaphore, #tpu.memory_space<semaphore_mem>>) src(%dma_wait3A_199 : memref<200x64xf32, #tpu.memory_space<hbm>>) dst(%dma_wait3A_196 : memref<200x64xf32, #tpu.memory_space<vmem>>)
      %dma_wait3A_200 = arith.constant 1 : i32
      %dma_wait3A_201 = arith.constant 1 : i32
      %dma_wait3A_202 = arith.constant 1 : i32
      %dma_wait3A_203 = arith.constant 0 : i32
      %dma_wait3A_204 = arith.constant 0 : i32
      %dma_wait3A_205 = tpu.memref_slice %arg6[%dma_wait3A_200, %dma_wait3A_201, %dma_wait3A_203, %dma_wait3A_204] : memref<2x2x200x64xf32, #tpu.memory_space<vmem>> -> memref<1x1x200x64xf32, #tpu.memory_space<vmem>>
      %dma_wait3A_206 = tpu.memref_squeeze %dma_wait3A_205 : memref<1x1x200x64xf32, #tpu.memory_space<vmem>> -> memref<200x64xf32, #tpu.memory_space<vmem>>
      %dma_wait3A_207 = arith.constant 0 : i32
      %dma_wait3A_208 = arith.constant 0 : i32
      %dma_wait3A_209 = tpu.memref_slice %arg3[%dma_wait3A_207, %dma_wait3A_208] : memref<1000000x64xf32, #tpu.memory_space<hbm>> -> memref<200x64xf32, #tpu.memory_space<hbm>>
      %dma_wait3A_210 = tpu.memref_slice %arg7[%dma_wait3A_202] : memref<2x!tpu.dma_semaphore, #tpu.memory_space<semaphore_mem>> -> memref<1x!tpu.dma_semaphore, #tpu.memory_space<semaphore_mem>>
      %dma_wait3A_211 = tpu.memref_squeeze %dma_wait3A_210 : memref<1x!tpu.dma_semaphore, #tpu.memory_space<semaphore_mem>> -> memref<!tpu.dma_semaphore, #tpu.memory_space<semaphore_mem>>
      %dma_wait3A_212 = arith.constant 0 : i32
      %dma_wait3A_213 = arith.constant 0 : i32
      %dma_wait3A_214 = tpu.memref_slice %arg6[%dma_wait3A_200, %dma_wait3A_201, %dma_wait3A_212, %dma_wait3A_213] : memref<2x2x200x64xf32, #tpu.memory_space<vmem>> -> memref<1x1x200x64xf32, #tpu.memory_space<vmem>>
      %dma_wait3A_215 = tpu.memref_squeeze %dma_wait3A_214 : memref<1x1x200x64xf32, #tpu.memory_space<vmem>> -> memref<200x64xf32, #tpu.memory_space<vmem>>
      %dma_wait3A_216 = arith.constant 0 : i32
      %dma_wait3A_217 = arith.constant 0 : i32
      %dma_wait3A_218 = tpu.memref_slice %arg3[%dma_wait3A_216, %dma_wait3A_217] : memref<1000000x64xf32, #tpu.memory_space<hbm>> -> memref<200x64xf32, #tpu.memory_space<hbm>>
      tpu.wait_dma2 semaphore(%dma_wait3A_211 : memref<!tpu.dma_semaphore, #tpu.memory_space<semaphore_mem>>) src(%dma_wait3A_218 : memref<200x64xf32, #tpu.memory_space<hbm>>) dst(%dma_wait3A_215 : memref<200x64xf32, #tpu.memory_space<vmem>>)
      %mul3A_219 = arith.constant 2 : i32
      %mul3A_220 = arith.muli %mul3A_219, %add3A_168 : i32
      %add3A_221 = arith.addi %mul3A_2, %mul3A_220 : i32
      %dma_start3A_222 = arith.constant 1 : i32
      %dma_start3A_223 = arith.constant 1 : i32
      %dma_start3A_224 = arith.constant 0 : i32
      %dma_start3A_225 = arith.constant 0 : i32
      %dma_start3A_226 = arith.constant 0 : i32
      %dma_start3A_227 = tpu.memref_slice %arg6[%dma_start3A_222, %dma_start3A_224, %dma_start3A_225, %dma_start3A_226] : memref<2x2x200x64xf32, #tpu.memory_space<vmem>> -> memref<1x2x200x64xf32, #tpu.memory_space<vmem>>
      %dma_start3A_228 = tpu.memref_squeeze %dma_start3A_227 : memref<1x2x200x64xf32, #tpu.memory_space<vmem>> -> memref<2x200x64xf32, #tpu.memory_space<vmem>>
      %dma_start3A_229 = arith.constant 0 : i32
      %dma_start3A_230 = arith.constant 0 : i32
      %dma_start3A_231 = tpu.memref_slice %arg4[%add3A_221, %dma_start3A_229, %dma_start3A_230] : memref<4096x200x64xf32, #tpu.memory_space<hbm>> -> memref<2x200x64xf32, #tpu.memory_space<hbm>>
      %dma_start3A_232 = tpu.memref_slice %arg8[%dma_start3A_223] : memref<2x!tpu.dma_semaphore, #tpu.memory_space<semaphore_mem>> -> memref<1x!tpu.dma_semaphore, #tpu.memory_space<semaphore_mem>>
      %dma_start3A_233 = tpu.memref_squeeze %dma_start3A_232 : memref<1x!tpu.dma_semaphore, #tpu.memory_space<semaphore_mem>> -> memref<!tpu.dma_semaphore, #tpu.memory_space<semaphore_mem>>
      %dma_start3A_234 = arith.constant 0 : i32
      %dma_start3A_235 = arith.constant 0 : i32
      %dma_start3A_236 = tpu.memref_slice %arg4[%add3A_221, %dma_start3A_234, %dma_start3A_235] : memref<4096x200x64xf32, #tpu.memory_space<hbm>> -> memref<2x200x64xf32, #tpu.memory_space<hbm>>
      %dma_start3A_237 = arith.constant 0 : i32
      %dma_start3A_238 = arith.constant 0 : i32
      %dma_start3A_239 = arith.constant 0 : i32
      %dma_start3A_240 = tpu.memref_slice %arg6[%dma_start3A_222, %dma_start3A_237, %dma_start3A_238, %dma_start3A_239] : memref<2x2x200x64xf32, #tpu.memory_space<vmem>> -> memref<1x2x200x64xf32, #tpu.memory_space<vmem>>
      %dma_start3A_241 = tpu.memref_squeeze %dma_start3A_240 : memref<1x2x200x64xf32, #tpu.memory_space<vmem>> -> memref<2x200x64xf32, #tpu.memory_space<vmem>>
      tpu.enqueue_dma source(%dma_start3A_241 : memref<2x200x64xf32, #tpu.memory_space<vmem>>) target(%dma_start3A_236 : memref<2x200x64xf32, #tpu.memory_space<hbm>>) target_semaphore(%dma_start3A_233 : memref<!tpu.dma_semaphore, #tpu.memory_space<semaphore_mem>>)
    }
    %scan3A_69 = arith.constant 32 : i32
    %dma_wait3A = arith.constant 1 : i32
    %dma_wait3A_70 = arith.constant 1 : i32
    %dma_wait3A_71 = arith.constant 0 : i32
    %dma_wait3A_72 = arith.constant 0 : i32
    %dma_wait3A_73 = arith.constant 0 : i32
    %dma_wait3A_74 = tpu.memref_slice %arg6[%dma_wait3A, %dma_wait3A_71, %dma_wait3A_72, %dma_wait3A_73] : memref<2x2x200x64xf32, #tpu.memory_space<vmem>> -> memref<1x2x200x64xf32, #tpu.memory_space<vmem>>
    %dma_wait3A_75 = tpu.memref_squeeze %dma_wait3A_74 : memref<1x2x200x64xf32, #tpu.memory_space<vmem>> -> memref<2x200x64xf32, #tpu.memory_space<vmem>>
    %dma_wait3A_76 = arith.constant 0 : i32
    %dma_wait3A_77 = arith.constant 0 : i32
    %dma_wait3A_78 = arith.constant 0 : i32
    %dma_wait3A_79 = tpu.memref_slice %arg4[%dma_wait3A_76, %dma_wait3A_77, %dma_wait3A_78] : memref<4096x200x64xf32, #tpu.memory_space<hbm>> -> memref<2x200x64xf32, #tpu.memory_space<hbm>>
    %dma_wait3A_80 = tpu.memref_slice %arg8[%dma_wait3A_70] : memref<2x!tpu.dma_semaphore, #tpu.memory_space<semaphore_mem>> -> memref<1x!tpu.dma_semaphore, #tpu.memory_space<semaphore_mem>>
    %dma_wait3A_81 = tpu.memref_squeeze %dma_wait3A_80 : memref<1x!tpu.dma_semaphore, #tpu.memory_space<semaphore_mem>> -> memref<!tpu.dma_semaphore, #tpu.memory_space<semaphore_mem>>
    %dma_wait3A_82 = arith.constant 0 : i32
    %dma_wait3A_83 = arith.constant 0 : i32
    %dma_wait3A_84 = arith.constant 0 : i32
    %dma_wait3A_85 = tpu.memref_slice %arg4[%dma_wait3A_82, %dma_wait3A_83, %dma_wait3A_84] : memref<4096x200x64xf32, #tpu.memory_space<hbm>> -> memref<2x200x64xf32, #tpu.memory_space<hbm>>
    %dma_wait3A_86 = arith.constant 0 : i32
    %dma_wait3A_87 = arith.constant 0 : i32
    %dma_wait3A_88 = arith.constant 0 : i32
    %dma_wait3A_89 = tpu.memref_slice %arg6[%dma_wait3A, %dma_wait3A_86, %dma_wait3A_87, %dma_wait3A_88] : memref<2x2x200x64xf32, #tpu.memory_space<vmem>> -> memref<1x2x200x64xf32, #tpu.memory_space<vmem>>
    %dma_wait3A_90 = tpu.memref_squeeze %dma_wait3A_89 : memref<1x2x200x64xf32, #tpu.memory_space<vmem>> -> memref<2x200x64xf32, #tpu.memory_space<vmem>>
    tpu.wait_dma2 semaphore(%dma_wait3A_81 : memref<!tpu.dma_semaphore, #tpu.memory_space<semaphore_mem>>) src(%dma_wait3A_90 : memref<2x200x64xf32, #tpu.memory_space<vmem>>) dst(%dma_wait3A_85 : memref<2x200x64xf32, #tpu.memory_space<hbm>>)
    return
  }
}

module attributes {stable_mosaic.version = 14 : i64} {
  func.func @_tc_body(%arg0: i32, %arg1: i32, %arg2: memref<512x8x64xf32, #tpu.memory_space<vmem>>, %arg3: memref<8x64xf32, #tpu.memory_space<vmem>>, %arg4: memref<512x512xf32, #tpu.memory_space<vmem>>, %arg5: memref<8x64x512xf32, #tpu.memory_space<vmem>>) attributes {dimension_semantics = [#tpu.dimension_semantics<arbitrary>, #tpu.dimension_semantics<arbitrary>], iteration_bounds = array<i64: 25, 8>, scalar_prefetch = 0 : i64, scratch_operands = 0 : i64, tpu.core_type = #tpu.core_type<tc>, window_params = [{transform_indices = @transform_0, window_bounds = array<i64: 512, 8, 64>}, {transform_indices = @transform_1, window_bounds = array<i64: 8, 64>}, {pipeline_mode = #tpu.pipeline_mode<synchronous>, transform_indices = @transform_2, window_bounds = array<i64: 512, 512>}, {transform_indices = @transform_3, window_bounds = array<i64: 8, 64, 512>}]} {
    %get3A = arith.constant 0 : index
    %get3A_0 = arith.constant 0 : index
    %get3A_1 = arith.constant 0 : index
    %get3A_2 = vector.load %arg2[%get3A, %get3A_0, %get3A_1] : memref<512x8x64xf32, #tpu.memory_space<vmem>>, vector<512x8x64xf32>
    %reshape3A = vector.shape_cast %get3A_2 : vector<512x8x64xf32> to vector<512x512xf32>
    %get3A_3 = arith.constant 0 : index
    %get3A_4 = arith.constant 0 : index
    %get3A_5 = vector.load %arg4[%get3A_3, %get3A_4] : memref<512x512xf32, #tpu.memory_space<vmem>>, vector<512x512xf32>
    %dot_general3A = arith.constant dense<0.000000e+00> : vector<512x512xf32>
    %dot_general3A_6 = tpu.matmul %reshape3A, %get3A_5, %dot_general3A {dimension_numbers = #tpu.dot_dimension_numbers<[0], [0], [1], [1], [0, 1, 1, 1], [], []>, transpose_lhs_hint = false} : vector<512x512xf32>, vector<512x512xf32>, vector<512x512xf32> -> vector<512x512xf32>
    %reshape3A_7 = vector.shape_cast %dot_general3A_6 : vector<512x512xf32> to vector<8x64x512xf32>
    %get3A_8 = arith.constant 0 : index
    %get3A_9 = arith.constant 0 : index
    %get3A_10 = vector.load %arg3[%get3A_8, %get3A_9] : memref<8x64xf32, #tpu.memory_space<vmem>>, vector<8x64xf32>
    %broadcast_in_dim3A = vector.shape_cast %get3A_10 : vector<8x64xf32> to vector<8x64x1xf32>
    %add3A = vector.broadcast %broadcast_in_dim3A : vector<8x64x1xf32> to vector<8x64x512xf32>
    %add3A_11 = arith.addf %reshape3A_7, %add3A : vector<8x64x512xf32>
    %swap3A = arith.constant 0 : index
    %swap3A_12 = arith.constant 0 : index
    %swap3A_13 = arith.constant 0 : index
    %swap3A_14 = vector.load %arg5[%swap3A, %swap3A_12, %swap3A_13] : memref<8x64x512xf32, #tpu.memory_space<vmem>>, vector<8x64x512xf32>
    tpu.vector_store %arg5[%swap3A, %swap3A_12, %swap3A_13], %add3A_11 {strides = array<i32>} : memref<8x64x512xf32, #tpu.memory_space<vmem>>, vector<8x64x512xf32>,
    return
  }
  func.func @transform_0(%arg0: i32, %arg1: i32) -> (i32, i32, i32) {
    %c0_i32 = arith.constant 0 : i32
    %c0_i32_0 = arith.constant 0 : i32
    return %arg1, %arg0, %c0_i32 : i32, i32, i32
  }
  func.func @transform_1(%arg0: i32, %arg1: i32) -> (i32, i32) {
    %c0_i32 = arith.constant 0 : i32
    %c0_i32_0 = arith.constant 0 : i32
    return %arg0, %c0_i32 : i32, i32
  }
  func.func @transform_2(%arg0: i32, %arg1: i32) -> (i32, i32) {
    %c0_i32 = arith.constant 0 : i32
    %c0_i32_0 = arith.constant 0 : i32
    %c0_i32_1 = arith.constant 0 : i32
    return %c0_i32, %c0_i32_0 : i32, i32
  }
  func.func @transform_3(%arg0: i32, %arg1: i32) -> (i32, i32, i32) {
    %c0_i32 = arith.constant 0 : i32
    %c0_i32_0 = arith.constant 0 : i32
    return %arg0, %c0_i32, %arg1 : i32, i32, i32
  }
}

</mosaic_0001>

<sc_bundles>
// kernel: _emb_kernel.4.cloned.1.call-start
scs
__scs_entry_jumppad:
0x0: {  	(pc) =	sbr.rel $0x88, $3  }
0x1: {  	(tag) =	ssettag $0x0;
	lr =	simm.s32 $0x1  }
0x2: {  	[smem:$0x3F9E] =	sst lr;
	_ =	strace $0xD0000000  }
0x3: {  	_ = 	snop  }
0x4: {  	_ = 	snop  }
0x5: {  	_ = 	snop  }
0x6: {  	_ = 	snop  }
0x7: {  	_ = 	snop  }
__scs_overlays_trampoline_lowered:
0x8: {  	[smem:$0x3FAD] =	sst s0  }
0x9: {  	[smem:$0x3FAE] =	sst s1  }
0xa: {  	[smem:$0x3FAF] =	sst s2  }
0xb: {  	[smem:$0x3FB0] =	sst s3  }
0xc: {  	[smem:$0x3FB1] =	sst s4  }
0xd: {  	[smem:$0x3FB2] =	sst s5  }
0xe: {  	[smem:$0x3FB3] =	sst s6  }
0xf: {  	[smem:$0x3FB4] =	sst s7  }
0x10: {  	[smem:$0x3FB5] =	sst s8  }
0x11: {  	[smem:$0x3FB6] =	sst s9;
	s0 =	simm.s32 @!p0 $0x0  }
0x12: {  	s1 =	sld [smem:$0x3F9C];
	s0 =	simm.s32 @p0 $0x1  }
0x13: {  	[smem:$0x3FB7] =	sst s0;
	s0 =	simm.s32 @!p1 $0x0  }
0x14: {  	s2 =	sld [smem:$0x3F9B];
	s0 =	simm.s32 @p1 $0x1  }
0x15: {  	[smem:$0x3FB8] =	sst s0;
	s0 =	simm.s32 @!p2 $0x0  }
0x16: {  	s3 =	sld [smem:$0x3FDB];
	s0 =	simm.s32 @p2 $0x1  }
0x17: {  	s4 =	simm.s32 $0x1BF5;
	[smem:$0x3FBA] =	sst s0  }
0x18: {  	s0 =	sld [smem:$0x3F9D];
	_ =	swait.ge [sflag:s4], $0x0  }
0x19: {  	s7 =	sld [smem:$0x3F9E]  }
0x1a: {  	s8 =	sadd.s32 $0xFFFFE003, lr  }
0x1b: {  	s9 =	sadd.s32 $0xFFFFFEF7, lr;
	s5 =	simm.s32 $0xFFFFFFFF;
	p2 =	slt.u32 s8, $0xFFFFF086  }
0x1c: {  	p1 =	slt.u32 s9, $0xF7A;
	s5 =	simm.s32 @!p2 $0x0  }
0x1d: {  	s5 =	simm.s32 @p1 $0x1;
	p0 =	seq.s32 s7, s2  }
0x1e: {  	s7 =	smul.u32 @!p0 $0xF7A, s2;
	p2 =	seq.s32 @!p0 s5, $0x0  }
0x1f: {  	s9 =	smul.u32 $0xF7A, s1;
	s8 =	simm.s32 @!p0 $0x1BF5;
	p2 =	por !p2, p0  }
0x20: {  	[sflag:s8] =	ssyncset.s32 @!p0 $0xFFFFF086;
	s6 =	sadd.s32 @!p0 s3, s7;
	s7 =	simm.s32 @!p0 $0x108  }
0x21: {  	s3 =	sadd.s32 s3, s9;
	s6 =	sadd.s32 @!p0 $0x88, s6;
	s7 =	simm.s32 @p2 $0x1082  }
0x22: {  	[simem:s7], [sflag:s8] =	dma.local @!p0 [hbm:s6], $0xF7A  }
0x23: {  	s9 =	sor.u32 $0xD0000000, s2;
	s6 =	simm.s32 $0x108;
	_ =	swait.ge @!p0 [sflag:s8], $0x0  }
0x24: {  	s3 =	sadd.s32 $0x88, s3;
	s6 =	simm.s32 @!p1 $0x1082;
	[sflag:s4] =	ssyncset.s32 $0xFFFFF086  }
0x25: {  	[simem:s6], [sflag:s4] =	dma.local [hbm:s3], $0xF7A  }
0x26: {  	[smem:$0x3F9E] =	sst s1;
	(tag) =	ssettag s2;
	_ =	strace s9  }
0x27: {  	s1 =	sld [smem:$0x3FAE]  }
0x28: {  	s2 =	sld [smem:$0x3FAF]  }
0x29: {  	s4 =	sld [smem:$0x3FB1]  }
0x2a: {  	p0 =	seq.s32 s5, $0x0;
	s5 =	sld [smem:$0x3FB2]  }
0x2b: {  	s6 =	sld [smem:$0x3FB3]  }
0x2c: {  	s7 =	sld [smem:$0x3FB4]  }
0x2d: {  	s3 =	simm.s32 $0x108;
	s8 =	sld [smem:$0x3FB5]  }
0x2e: {  	s3 =	simm.s32 @!p0 $0x1082;
	s9 =	sld [smem:$0x3FB6]  }
0x2f: {  	lr =	sadd.s32 s0, s3;
	s0 =	sld [smem:$0x3FAD]  }
0x30: {  	s3 =	sld [smem:$0x3FB0]  }
0x31: {  	[smem:$0x3FB9] =	sst s10  }
0x32: {  	s10 =	sld [smem:$0x3FB7];
	_ =	sdelay $0x3  }
0x33: {  	p0 =	seq.s32 s10, $0x1;
	s10 =	sld [smem:$0x3FB9];
	_ =	sdelay $0x3  }
0x34: {  	[smem:$0x3FB9] =	sst s10  }
0x35: {  	s10 =	sld [smem:$0x3FB8];
	_ =	sdelay $0x3  }
0x36: {  	p1 =	seq.s32 s10, $0x1;
	s10 =	sld [smem:$0x3FB9];
	_ =	sdelay $0x3  }
0x37: {  	[smem:$0x3FB9] =	sst s10  }
0x38: {  	s10 =	sld [smem:$0x3FBA]  }
0x39: {  	_ = 	snop;
	(pc) =	sbr.ind lr, $3  }
0x3a: {  	_ = 	snop  }
0x3b: {  	_ = 	snop  }
0x3c: {  	p2 =	seq.s32 s10, $0x1;
	s10 =	sld [smem:$0x3FB9]  }
0x3d: {  	_ =	shalt  }
0x3e: {  	_ =	shalt  }
0x3f: {  	_ =	shalt  }
0x40: {  	_ =	shalt  }
0x41: {  	_ =	shalt  }
0x42: {  	_ =	shalt  }
0x43: {  	_ =	shalt  }
0x44: {  	_ =	shalt  }
0x45: {  	_ =	shalt  }
0x46: {  	_ =	shalt  }
0x47: {  	_ =	shalt  }
0x48: {  	_ =	shalt  }
0x49: {  	_ =	shalt  }
0x4a: {  	_ =	shalt  }
0x4b: {  	_ =	shalt  }
0x4c: {  	_ =	shalt  }
0x4d: {  	_ =	shalt  }
0x4e: {  	_ =	shalt  }
0x4f: {  	_ =	shalt  }
0x50: {  	_ =	shalt  }
0x51: {  	_ =	shalt  }
0x52: {  	_ =	shalt  }
0x53: {  	_ =	shalt  }
0x54: {  	_ =	shalt  }
0x55: {  	_ =	shalt  }
0x56: {  	_ =	shalt  }
0x57: {  	_ =	shalt  }
0x58: {  	_ =	shalt  }
0x59: {  	_ =	shalt  }
0x5a: {  	_ =	shalt  }
0x5b: {  	_ =	shalt  }
0x5c: {  	_ =	shalt  }
0x5d: {  	_ =	shalt  }
0x5e: {  	_ =	shalt  }
0x5f: {  	_ =	shalt  }
0x60: {  	_ =	shalt  }
0x61: {  	_ =	shalt  }
0x62: {  	_ =	shalt  }
0x63: {  	_ =	shalt  }
0x64: {  	_ =	shalt  }
0x65: {  	_ =	shalt  }
0x66: {  	_ =	shalt  }
0x67: {  	_ =	shalt  }
0x68: {  	_ =	shalt  }
0x69: {  	_ =	shalt  }
0x6a: {  	_ =	shalt  }
0x6b: {  	_ =	shalt  }
0x6c: {  	_ =	shalt  }
0x6d: {  	_ =	shalt  }
0x6e: {  	_ =	shalt  }
0x6f: {  	_ =	shalt  }
0x70: {  	_ =	shalt  }
0x71: {  	_ =	shalt  }
0x72: {  	_ =	shalt  }
0x73: {  	_ =	shalt  }
0x74: {  	_ =	shalt  }
0x75: {  	_ =	shalt  }
0x76: {  	_ =	shalt  }
0x77: {  	_ =	shalt  }
0x78: {  	_ =	shalt  }
0x79: {  	_ =	shalt  }
0x7a: {  	_ =	shalt  }
0x7b: {  	_ =	shalt  }
0x7c: {  	_ =	shalt  }
0x7d: {  	_ =	shalt  }
0x7e: {  	_ =	shalt  }
0x7f: {  	_ =	shalt  }
0x80: {  	_ =	shalt  }
0x81: {  	_ =	shalt  }
0x82: {  	_ =	shalt  }
0x83: {  	_ =	shalt  }
0x84: {  	_ =	shalt  }
0x85: {  	_ =	shalt  }
0x86: {  	_ =	shalt  }
0x87: {  	_ =	shalt  }
.Lfunc_end0:
.L_simem_size_0:
called_computation_lowered:
.L_overlay_start_0:
0x88: {  	s2 =	sld [smem:$0x3FD9]  }
0x89: {  	s3 =	sld [smem:$0x3FFE];
	_ =	sdelay $0x1  }
0x8a: {  	s1 =	srdreg.scid  }
0x8b: {  	s0 =	sand.u32 $0x1, s1  }
0x8c: {  	s17 =	sshll.u32 s0, $0xA;
	s2 =	sadd.s32 s3, s2  }
0x8d: {  	s2 =	sadd.s32 s2, s17  }
0x8e: {  	[smem:$0x3FC5] =	sst s2  }
0x8f: {  	_ = 	snop  }
0x90: {  	s2 =	sld [smem:$0x3FD0];
	(tm) =	ssettm $0x1  }
0x91: {  	s18 =	sld [smem:$0x3FFB];
	_ =	sdelay $0x3  }
0x92: {  	_ =	strace s18  }
0x93: {  	s3 =	sld [smem:$0x3FFC];
	_ =	sdelay $0x3  }
0x94: {  	_ =	strace s3  }
0x95: {  	s3 =	sld [smem:$0x3FFD];
	_ =	sdelay $0x3  }
0x96: {  	_ =	strace s3  }
0x97: {  	_ =	strace $0x8FFFFFFF  }
0x98: {  	s19 =	sld [smem:$0x3FDB];
	_ =	sdelay $0x1  }
0x99: {  	s4 =	simm.s32 $_scs_section_size  }
0x9a: {  	s5 =	simm.s32 $_size__tile_overlayer_lowered;
	s6 =	simm.s32 $_tile_overlayer_lowered  }
0x9b: {  	s22 =	simm.s32 $0x1BFF;
	s21 =	sshll.u32 s6, $0x1;
	s3 =	sadd.s32 s4, s19  }
0x9c: {  	s7 =	simm.s32 $0x0;
	s20 =	sshll.u32 s5, $0x1;
	s5 =	sadd.s32 s21, s3  }
0x9d: {  	[timem:s7], [sflag:s22] =	dma.local [hbm:s5], s20  }
0x9e: {  	_ =	swait.ge [sflag:s22], s20  }
0x9f: {  	s4 =	ssub.s32 $0x0, s20;
	[sflag:s22] =	ssyncset.done $0x0  }
0xa0: {  	[sflag:s22] =	ssyncadd.s32 s4;
	_ =	sdelay $0x1  }
0xa1: {  	s23 =	simm.s32 $0x1B8B  }
0xa2: {  	_ =	swait.ge [sflag:s23], $0x1  }
0xa3: {  	[sflag:s23] =	ssyncset.done $0x0  }
0xa4: {  	s25 =	simm.s32 $0x1B8E;
	s24 =	sld [smem:$0x3FFE];
	[sflag:s23] =	ssyncadd.s32 $0xFFFFFFFF  }
0xa5: {  	s26 =	simm.s32 $execute0_lowered;
	[smem:$0x3FD2] =	sst s25  }
0xa6: {  	s5 =	sshll.u32 s26, $0x1;
	_ =	strace $0x80000046;
	[dreg:$0x1] =	wrdreg $0xFFFFFFFF  }
0xa7: {  	s28 =	simm.s32 $_size_execute0_lowered;
	s3 =	sadd.s32 s3, s5;
	[dreg:$0x0] =	wrdreg $0x0  }
0xa8: {  	s5 =	sshll.u32 s28, $0x1;
	[dreg:$0x2] =	wrdreg s3  }
0xa9: {  	[dreg:$0x3] =	wrdreg s5  }
0xaa: {  	[dreg:$0x4] =	wrdreg $0xC0  }
0xab: {  	_ =	task [dreg:s7], $0x5FFFF  }
0xac: {  	[dreg:$0x1] =	wrdreg $0xFFFFFFFF  }
0xad: {  	[dreg:$0x0] =	wrdreg $0x60  }
0xae: {  	[dreg:$0x2] =	wrdreg s24  }
0xaf: {  	[dreg:$0x3] =	wrdreg s2  }
0xb0: {  	[dreg:$0x4] =	wrdreg $0x9  }
0xb1: {  	_ =	task.clear_ibuf [dreg:s7], $0x5FFFF;
	_ =	strace $0x90000046  }
0xb2: {  	s29 =	simm.s32 $0x9;
	_ =	strace $0x80000048  }
0xb3: {  	_ =	swait.ge [sflag:s29], $0x1  }
0xb4: {  	[sflag:s29] =	ssyncadd.s32 $0xFFFFFFFF  }
0xb5: {  	_ =	strace $0x90000048  }
0xb6: {  	_ =	sfence  }
0xb7: {  	s30 =	sld [smem:$0x0];
	_ =	sdelay $0x2  }
0xb8: {  	s31 =	sshll.u32 s1, $0xD;
	s1 =	sshrl.u32 s1, $0x2  }
0xb9: {  	s3 =	sand.u32 $0x4000, s31;
	s1 =	sadd.s32 s1, s30  }
0xba: {  	s0 =	sor.u32 s3, s0;
	s1 =	sshll.u32 s1, $0x11  }
0xbb: {  	s0 =	sor.u32 s1, s0  }
0xbc: {  	s0 =	sadd.s32 $0x8F2B, s0  }
0xbd: {  	[sflag:s0] =	ssyncadd.remote.s32 $0x1  }
0xbe: {  	_ =	sfence.sel $0xFFFF  }
0xbf: {  	[dreg:$0x0] =	wrdreg $0xFFFFFFFF;
	(pc) =	sbr.abs _section_cstart, $3  }
0xc0: {  	[dreg:$0x1] =	wrdreg $0xFFFFFFFF  }
0xc1: {  	_ =	task.clear_ibuf [dreg:s7], $0x2FFFF;
	_ =	strace $0x9FFFFFFF  }
0xc2: {  	(tm) =	ssettm $0x7FFFFFFF  }
0xc3: {  	_ =	shalt  }
tec
execute0_lowered:
.L_overlay_start_1:
0x0: {  	(tag) =	ssettag $0x1  }
0x1: {  	s0 =	srdreg.scid;
	s1 =	rddreg [dreg:$0x0]  }
0x2: {  	s9 =	stileid.u32;
	s6 =	rddreg [dreg:$0x1];
	s2 =	simm.s32 $0x0  }
0x3: {  	s11 =	simm.s32 $0x5;
	s12 =	simm.s32 $0x80;
	s13 =	simm.s32 $0x6400  }
0x4: {  	s14 =	simm.s32 $0x48;
	s15 =	simm.s32 $0x8400;
	s17 =	simm.s32 $0x9600  }
0x5: {  	s19 =	simm.s32 $0xB600;
	s21 =	simm.s32 $0xC800;
	s23 =	simm.s32 $0xE800  }
0x6: {  	s28 =	simm.s32 $0x11A00;
	s29 =	simm.s32 $0x1;
	s30 =	simm.s32 $0x3  }
0x7: {  	s18 =	simm.s32 $0x2;
	s20 =	simm.s32 $0x4;
	s31 =	simm.s32 $0x63B8  }
0x8: {  	s0 =	sand.u32 $0x1, s0;
	s3 =	sshll.u32 s9, $0x8;
	[smem:$0x7FF] =	sst s2  }
0x9: {  	s9 =	smul.u32 $0x64000, s9;
	s4 =	sshll.u32 s0, $0x7;
	_ =	strace $0x80000047  }
0xa: {  	s5 =	ssub.s32 $0x2, s0;
	s0 =	smul.u32 $0x32000, s0;
	s3 =	sor.u32 s4, s3  }
0xb: {  	s8 =	sshrl.u32 s5, $0x1;
	s26 =	sadd.s32 s9, s6;
	s4 =	smul.u32 $0x19, s3  }
0xc: {  	s7 =	smul.u32 $0x640, s3;
	s3 =	sadd.s32 $0xF43000, s1;
	s0 =	sadd.s32 s0, s26  }
0xd: {  	s25 =	ssub.s32 s5, s8;
	s26 =	simm.s32 $0x6338;
	s10 =	sadd.s32 $0x1900, s0  }
0xe: {  	s4 =	sadd.s32 s4, s1;
	s5 =	sadd.s32 s6, s7;
	s6 =	smax.u32 s25, $0x1  }
0xf: {  	s25 =	simm.s32 $0xFA00;
	s1 =	simm.s32 $0x0;
	s4 =	sadd.s32 $0xC00, s4  }
0x10: {  	s7 =	sadd.s32 $0xC80, s5;
	s8 =	sadd.s32 $0x30700, s5;
	s9 =	sadd.s32 $0x31380, s5  }
.LBB2_1:
0x11: {  	[tilespmem:s2], [sflag:$0x5] =	stream.linear.gather [hbm4b:s4+s2], $0x6400, $0x38;
	[tilespmem:$0x12C00] =	vst v63  }
0x12: {  	_ =	swait.ge [sflag:s11], $0x6400  }
0x13: {  	[sflag:s11] =	ssyncset.done $0x0  }
0x14: {  	[sflag:s11] =	ssyncadd.s32 $0xFFFF9C00  }
0x15: {  	[tilespmem:s13], [sflag:$0x1] =	stream.indirect.gather [hbm4b:s3+s12], $0x40, s2, s12, $0xb8;
	[tilespmem:$0x12C00] =	vst v63  }
0x16: {  	_ = 	snop  }
0x17: {  	[tilespmem:s15], [sflag:$0x1] =	stream.indirect.gather [hbm4b:s3+s14], $0x40, s12, s14, $0xb8;
	[tilespmem:$0x12C00] =	vst v63  }
0x18: {  	s0 =	simm.s32 $0xC8  }
0x19: {  	[tilespmem:s17], [sflag:$0x1] =	stream.indirect.gather [hbm4b:s3+s12], $0x40, s0, s12, $0xb8;
	[tilespmem:$0x12C00] =	vst v63  }
0x1a: {  	s22 =	simm.s32 $0x148  }
0x1b: {  	[tilespmem:s19], [sflag:$0x1] =	stream.indirect.gather [hbm4b:s3+s14], $0x40, s22, s14, $0xb8;
	[tilespmem:$0x12C00] =	vst v63  }
0x1c: {  	s24 =	simm.s32 $0x190  }
0x1d: {  	[tilespmem:s21], [sflag:$0x2] =	stream.indirect.gather [hbm4b:s3+s12], $0x40, s24, s12, $0xb8;
	[tilespmem:$0x12C00] =	vst v63  }
0x1e: {  	s16 =	simm.s32 $0x210  }
0x1f: {  	[tilespmem:s23], [sflag:$0x2] =	stream.indirect.gather [hbm4b:s3+s14], $0x40, s16, s14, $0xb8;
	[tilespmem:$0x12C00] =	vst v63  }
0x20: {  	s22 =	simm.s32 $0x258  }
0x21: {  	[tilespmem:s25], [sflag:$0x2] =	stream.indirect.gather [hbm4b:s3+s12], $0x40, s22, s12, $0xb8;
	[tilespmem:$0x12C00] =	vst v63  }
0x22: {  	s24 =	simm.s32 $0x2D8  }
0x23: {  	[tilespmem:s28], [sflag:$0x2] =	stream.indirect.gather [hbm4b:s3+s14], $0x40, s24, s14, $0xb8;
	[tilespmem:$0x12C00] =	vst v63  }
0x24: {  	_ =	swait.ge [sflag:s29], $0x3200  }
0x25: {  	[sflag:s29] =	ssyncset.done $0x0  }
0x26: {  	[sflag:s29] =	ssyncadd.s32 $0xFFFFCE00  }
0x27: {  	_ =	swait.ge [sflag:s29], $0x3200  }
0x28: {  	[sflag:s29] =	ssyncset.done $0x0  }
0x29: {  	[sflag:s29] =	ssyncadd.s32 $0xFFFFCE00  }
0x2a: {  	[hbm4b:s5+s2] =	stream.linear.scatter [tilespmem:s13], [sflag:$0x3], $0x6400, $0x38;
	[tilespmem:$0x12C00] =	vst v63  }
0x2b: {  	_ =	swait.ge [sflag:s30], $0x6400  }
0x2c: {  	[sflag:s30] =	ssyncset.done $0x0  }
0x2d: {  	s16 =	simm.s32 $0x320;
	[sflag:s30] =	ssyncadd.s32 $0xFFFF9C00  }
0x2e: {  	[tilespmem:s13], [sflag:$0x1] =	stream.indirect.gather [hbm4b:s3+s12], $0x40, s16, s12, $0xb8;
	[tilespmem:$0x12C00] =	vst v63  }
0x2f: {  	s22 =	simm.s32 $0x3A0  }
0x30: {  	[tilespmem:s15], [sflag:$0x1] =	stream.indirect.gather [hbm4b:s3+s14], $0x40, s22, s14, $0xb8;
	[tilespmem:$0x12C00] =	vst v63  }
0x31: {  	s24 =	simm.s32 $0x3E8  }
0x32: {  	[tilespmem:s17], [sflag:$0x1] =	stream.indirect.gather [hbm4b:s3+s12], $0x40, s24, s12, $0xb8;
	[tilespmem:$0x12C00] =	vst v63  }
0x33: {  	s16 =	simm.s32 $0x468  }
0x34: {  	[tilespmem:s19], [sflag:$0x1] =	stream.indirect.gather [hbm4b:s3+s14], $0x40, s16, s14, $0xb8;
	[tilespmem:$0x12C00] =	vst v63  }
0x35: {  	_ =	swait.ge [sflag:s18], $0x3200  }
0x36: {  	[sflag:s18] =	ssyncset.done $0x0  }
0x37: {  	[sflag:s18] =	ssyncadd.s32 $0xFFFFCE00  }
0x38: {  	_ =	swait.ge [sflag:s18], $0x3200  }
0x39: {  	[sflag:s18] =	ssyncset.done $0x0  }
0x3a: {  	[sflag:s18] =	ssyncadd.s32 $0xFFFFCE00  }
0x3b: {  	[hbm4b:s7+s2] =	stream.linear.scatter [tilespmem:s21], [sflag:$0x4], $0x6400, $0x38;
	[tilespmem:$0x12C00] =	vst v63  }
0x3c: {  	_ =	swait.ge [sflag:s20], $0x6400  }
0x3d: {  	[sflag:s20] =	ssyncset.done $0x0  }
0x3e: {  	s22 =	simm.s32 $0x4B0;
	[sflag:s20] =	ssyncadd.s32 $0xFFFF9C00  }
0x3f: {  	[tilespmem:s21], [sflag:$0x2] =	stream.indirect.gather [hbm4b:s3+s12], $0x40, s22, s12, $0xb8;
	[tilespmem:$0x12C00] =	vst v63  }
0x40: {  	s24 =	simm.s32 $0x530  }
0x41: {  	[tilespmem:s23], [sflag:$0x2] =	stream.indirect.gather [hbm4b:s3+s14], $0x40, s24, s14, $0xb8;
	[tilespmem:$0x12C00] =	vst v63  }
0x42: {  	s16 =	simm.s32 $0x578  }
0x43: {  	[tilespmem:s25], [sflag:$0x2] =	stream.indirect.gather [hbm4b:s3+s12], $0x40, s16, s12, $0xb8;
	[tilespmem:$0x12C00] =	vst v63  }
0x44: {  	s22 =	simm.s32 $0x5F8  }
0x45: {  	[tilespmem:s28], [sflag:$0x2] =	stream.indirect.gather [hbm4b:s3+s14], $0x40, s22, s14, $0xb8;
	[tilespmem:$0x12C00] =	vst v63  }
0x46: {  	_ =	swait.ge [sflag:s29], $0x3200  }
0x47: {  	[sflag:s29] =	ssyncset.done $0x0  }
0x48: {  	[sflag:s29] =	ssyncadd.s32 $0xFFFFCE00  }
0x49: {  	_ =	swait.ge [sflag:s29], $0x3200  }
0x4a: {  	[sflag:s29] =	ssyncset.done $0x0  }
0x4b: {  	[sflag:s29] =	ssyncadd.s32 $0xFFFFCE00  }
0x4c: {  	[hbm4b:s10+s2] =	stream.linear.scatter [tilespmem:s13], [sflag:$0x3], $0x6400, $0x38;
	[tilespmem:$0x12C00] =	vst v63  }
0x4d: {  	_ =	swait.ge [sflag:s30], $0x6400  }
0x4e: {  	[sflag:s30] =	ssyncset.done $0x0  }
0x4f: {  	s24 =	simm.s32 $0x640;
	[sflag:s30] =	ssyncadd.s32 $0xFFFF9C00  }
0x50: {  	[tilespmem:s13], [sflag:$0x1] =	stream.indirect.gather [hbm4b:s3+s12], $0x40, s24, s12, $0xb8;
	[tilespmem:$0x12C00] =	vst v63  }
0x51: {  	s16 =	simm.s32 $0x6C0  }
0x52: {  	[tilespmem:s15], [sflag:$0x1] =	stream.indirect.gather [hbm4b:s3+s14], $0x40, s16, s14, $0xb8;
	[tilespmem:$0x12C00] =	vst v63  }
0x53: {  	s22 =	simm.s32 $0x708  }
0x54: {  	[tilespmem:s17], [sflag:$0x1] =	stream.indirect.gather [hbm4b:s3+s12], $0x40, s22, s12, $0xb8;
	[tilespmem:$0x12C00] =	vst v63  }
0x55: {  	s24 =	simm.s32 $0x788  }
0x56: {  	[tilespmem:s19], [sflag:$0x1] =	stream.indirect.gather [hbm4b:s3+s14], $0x40, s24, s14, $0xb8;
	[tilespmem:$0x12C00] =	vst v63  }
0x57: {  	_ =	swait.ge [sflag:s18], $0x3200  }
0x58: {  	[sflag:s18] =	ssyncset.done $0x0  }
0x59: {  	[sflag:s18] =	ssyncadd.s32 $0xFFFFCE00  }
0x5a: {  	_ =	swait.ge [sflag:s18], $0x3200  }
0x5b: {  	s0 =	simm.s32 $0xC80;
	[sflag:s18] =	ssyncset.done $0x0  }
0x5c: {  	s16 =	sadd.s32 $0x1900, s10;
	s22 =	sadd.s32 $0xC80, s10;
	[sflag:s18] =	ssyncadd.s32 $0xFFFFCE00  }
.LBB2_2:
0x5d: {  	[hbm4b:s22+s2] =	stream.linear.scatter [tilespmem:s21], [sflag:$0x4], $0x6400, $0x38;
	[tilespmem:$0x12C00] =	vst v63  }
0x5e: {  	s22 =	smov.u32 s0  }
0x5f: {  	p0 =	sne.s32 s0, $0x16A80;
	s0 =	sadd.s32 $0xC80, s0;
	_ =	swait.ge [sflag:s20], $0x6400  }
0x60: {  	s22 =	sshra.s32 s22, $0x2;
	[sflag:s20] =	ssyncset.done $0x0  }
0x61: {  	s24 =	sadd.s32 $0x4B0, s22;
	[sflag:s20] =	ssyncadd.s32 $0xFFFF9C00  }
0x62: {  	[tilespmem:s21], [sflag:$0x2] =	stream.indirect.gather [hbm4b:s3+s12], $0x40, s24, s12, $0xb8;
	[tilespmem:$0x12C00] =	vst v63  }
0x63: {  	s24 =	sadd.s32 $0x530, s22  }
0x64: {  	[tilespmem:s23], [sflag:$0x2] =	stream.indirect.gather [hbm4b:s3+s14], $0x40, s24, s14, $0xb8;
	[tilespmem:$0x12C00] =	vst v63  }
0x65: {  	s24 =	sadd.s32 $0x578, s22  }
0x66: {  	[tilespmem:s25], [sflag:$0x2] =	stream.indirect.gather [hbm4b:s3+s12], $0x40, s24, s12, $0xb8;
	[tilespmem:$0x12C00] =	vst v63  }
0x67: {  	s24 =	sadd.s32 $0x5F8, s22  }
0x68: {  	[tilespmem:s28], [sflag:$0x2] =	stream.indirect.gather [hbm4b:s3+s14], $0x40, s24, s14, $0xb8;
	[tilespmem:$0x12C00] =	vst v63  }
0x69: {  	_ =	swait.ge [sflag:s29], $0x3200  }
0x6a: {  	[sflag:s29] =	ssyncset.done $0x0  }
0x6b: {  	[sflag:s29] =	ssyncadd.s32 $0xFFFFCE00  }
0x6c: {  	_ =	swait.ge [sflag:s29], $0x3200  }
0x6d: {  	[sflag:s29] =	ssyncset.done $0x0  }
0x6e: {  	[sflag:s29] =	ssyncadd.s32 $0xFFFFCE00  }
0x6f: {  	[hbm4b:s16+s2] =	stream.linear.scatter [tilespmem:s13], [sflag:$0x3], $0x6400, $0x38;
	[tilespmem:$0x12C00] =	vst v63  }
0x70: {  	_ =	swait.ge [sflag:s30], $0x6400  }
0x71: {  	[sflag:s30] =	ssyncset.done $0x0  }
0x72: {  	s24 =	sadd.s32 $0x640, s22;
	[sflag:s30] =	ssyncadd.s32 $0xFFFF9C00  }
0x73: {  	[tilespmem:s13], [sflag:$0x1] =	stream.indirect.gather [hbm4b:s3+s12], $0x40, s24, s12, $0xb8;
	[tilespmem:$0x12C00] =	vst v63  }
0x74: {  	s24 =	sadd.s32 $0x6C0, s22  }
0x75: {  	[tilespmem:s15], [sflag:$0x1] =	stream.indirect.gather [hbm4b:s3+s14], $0x40, s24, s14, $0xb8;
	[tilespmem:$0x12C00] =	vst v63  }
0x76: {  	s24 =	sadd.s32 $0x708, s22  }
0x77: {  	[tilespmem:s17], [sflag:$0x1] =	stream.indirect.gather [hbm4b:s3+s12], $0x40, s24, s12, $0xb8;
	[tilespmem:$0x12C00] =	vst v63  }
0x78: {  	s22 =	sadd.s32 $0x788, s22  }
0x79: {  	[tilespmem:s19], [sflag:$0x1] =	stream.indirect.gather [hbm4b:s3+s14], $0x40, s22, s14, $0xb8;
	[tilespmem:$0x12C00] =	vst v63  }
0x7a: {  	_ =	swait.ge [sflag:s18], $0x3200  }
.Ltmp0:
0x7b: {  	[sflag:s18] =	ssyncset.done $0x0;
	(pc) =	sbr.rel @p0 .LBB2_2-.Ltmp0, $4  }
0x7c: {  	[sflag:s18] =	ssyncadd.s32 $0xFFFFCE00  }
0x7d: {  	_ =	swait.ge [sflag:s18], $0x3200  }
0x7e: {  	[sflag:s18] =	ssyncset.done $0x0  }
0x7f: {  	s22 =	sadd.s32 $0xC80, s16;
	s16 =	sadd.s32 $0x1900, s16;
	[sflag:s18] =	ssyncadd.s32 $0xFFFFCE00  }
0x80: {  	[hbm4b:s22+s2] =	stream.linear.scatter [tilespmem:s21], [sflag:$0x4], $0x6400, $0x38;
	[tilespmem:$0x12C00] =	vst v63  }
0x81: {  	_ =	swait.ge [sflag:s20], $0x6400  }
0x82: {  	[sflag:s20] =	ssyncset.done $0x0  }
0x83: {  	s0 =	simm.s32 $0x6270;
	[sflag:s20] =	ssyncadd.s32 $0xFFFF9C00  }
0x84: {  	[tilespmem:s21], [sflag:$0x2] =	stream.indirect.gather [hbm4b:s3+s12], $0x40, s0, s12, $0xb8;
	[tilespmem:$0x12C00] =	vst v63  }
0x85: {  	s24 =	simm.s32 $0x62F0  }
0x86: {  	[tilespmem:s23], [sflag:$0x2] =	stream.indirect.gather [hbm4b:s3+s14], $0x40, s24, s14, $0xb8;
	[tilespmem:$0x12C00] =	vst v63  }
0x87: {  	_ = 	snop  }
0x88: {  	[tilespmem:s25], [sflag:$0x2] =	stream.indirect.gather [hbm4b:s3+s12], $0x40, s26, s12, $0xb8;
	[tilespmem:$0x12C00] =	vst v63  }
0x89: {  	_ = 	snop  }
0x8a: {  	[tilespmem:s28], [sflag:$0x2] =	stream.indirect.gather [hbm4b:s3+s14], $0x40, s31, s14, $0xb8;
	[tilespmem:$0x12C00] =	vst v63  }
0x8b: {  	_ =	swait.ge [sflag:s29], $0x3200  }
0x8c: {  	[sflag:s29] =	ssyncset.done $0x0  }
0x8d: {  	[sflag:s29] =	ssyncadd.s32 $0xFFFFCE00  }
0x8e: {  	_ =	swait.ge [sflag:s29], $0x3200  }
0x8f: {  	[sflag:s29] =	ssyncset.done $0x0  }
0x90: {  	[sflag:s29] =	ssyncadd.s32 $0xFFFFCE00  }
0x91: {  	[hbm4b:s8+s2] =	stream.linear.scatter [tilespmem:s13], [sflag:$0x3], $0x6400, $0x38;
	[tilespmem:$0x12C00] =	vst v63  }
0x92: {  	_ =	swait.ge [sflag:s30], $0x6400  }
0x93: {  	[sflag:s30] =	ssyncset.done $0x0  }
0x94: {  	[sflag:s30] =	ssyncadd.s32 $0xFFFF9C00  }
0x95: {  	_ =	swait.ge [sflag:s18], $0x3200  }
0x96: {  	[sflag:s18] =	ssyncset.done $0x0  }
0x97: {  	[sflag:s18] =	ssyncadd.s32 $0xFFFFCE00  }
0x98: {  	s1 =	sadd.s32 $0x1, s1;
	_ =	swait.ge [sflag:s18], $0x3200  }
0x99: {  	p0 =	sne.s32 s1, s6;
	[sflag:s18] =	ssyncset.done $0x0  }
.Ltmp1:
0x9a: {  	[sflag:s18] =	ssyncadd.s32 $0xFFFFCE00;
	(pc) =	sbr.rel @p0 .LBB2_1-.Ltmp1, $4  }
0x9b: {  	[hbm4b:s9+s2] =	stream.linear.scatter [tilespmem:s21], [sflag:$0x4], $0x6400, $0x38;
	[tilespmem:$0x12C00] =	vst v63  }
0x9c: {  	_ =	swait.ge [sflag:s20], $0x6400  }
0x9d: {  	[sflag:s20] =	ssyncset.done $0x0  }
0x9e: {  	[sflag:s20] =	ssyncadd.s32 $0xFFFF9C00  }
0x9f: {  	_ =	sfence.sel $0x180000  }
0xa0: {  	[bflag:$0x0] =	sbarrier.arrive $0xFFFF  }
0xa1: {  	_ =	strace $0x90000047  }
0xa2: {  	s0 =	stileid.u32;
	[bflag:$0x2] =	sbarrier.arrive $0xFFFF  }
0xa3: {  	p0 =	sne.s32 s0, $0x0;
	s0 =	rddreg [dreg:$0x2]  }
0xa4: {  	s0 =	sadd.s32 @!p0 $0x100000, s0  }
0xa5: {  	[sflag:s0] =	ssyncadd.tile.s32 @!p0 $0x1;
	_ =	shalt  }
.Lfunc_end2:
_tile_overlayer_lowered:
.L_overlay_start_2:
0xa6: {  	(tag) =	ssettag $0x2  }
0xa7: {  	s0 =	rddreg [dreg:$0x0];
	s2 =	stileid.u32  }
0xa8: {  	s1 =	rddreg [dreg:$0x1];
	p0 =	sne.s32 s2, $0x0  }
0xa9: {  	s3 =	rddreg [dreg:$0x2];
	[bflag:$0x3] =	sbarrier.arrive $0xFFFF;
	s2 =	simm.s32 @!p0 $0x1C05  }
0xaa: {  	[timem:s3], [sflag:s2] =	dma.local @!p0 [hbm:s0], s1  }
0xab: {  	s0 =	simm.s32 @!p0 $0x5  }
0xac: {  	_ =	swait.ge @!p0 [sflag:s0], s1  }
0xad: {  	s1 =	ssub.s32 @!p0 $0x0, s1;
	[sflag:s0] =	ssyncset.done @!p0 $0x0  }
0xae: {  	[sflag:s0] =	ssyncadd.s32 @!p0 s1  }
0xaf: {  	[bflag:$0x3] =	sbarrier.arrive $0xFFFF  }
0xb0: {  	_ =	shalt  }

</sc_bundles>
